<compile_context>
chip_gen: v7x
topology: tpu7x:2x2x1
jax: 0.10.2.dev20260603
libtpu: 0.0.44.dev20260713+nightly
codegen_flags: <defaults>
</compile_context>

<pallas_src>
import functools

import jax
import jax.numpy as jnp
from jax import lax
from jax.experimental import pallas as pl
from jax.experimental.pallas import tpu as pltpu
from jax.experimental.pallas import tpu_sc as plsc

_B = 1024
_L = 200
_D = 32
_NW = 32
_RPW = _B * _L // _NW
_CH = 128
_NCH = _RPW // _CH
_NPW = _B // _NW
_BB = 64


def _sc_mesh():
    return plsc.VectorSubcoreMesh(core_axis_name="c", subcore_axis_name="s")


def _sc_gather_table(idx128, table, nch=_NCH):
    n_out = 32 * nch * _CH

    @functools.partial(
        pl.kernel,
        out_type=jax.ShapeDtypeStruct((n_out, _D), jnp.float32),
        mesh=_sc_mesh(),
        compiler_params=pltpu.CompilerParams(use_tc_tiling_on_sc=False),
        scratch_types=[
            pltpu.VMEM((nch, _CH), jnp.int32),
            pltpu.VMEM((_CH, _D), jnp.float32),
            pltpu.VMEM((_CH, _D), jnp.float32),
            pltpu.VMEM((_CH, _D), jnp.float32),
            pltpu.VMEM((_CH, _D), jnp.float32),
            pltpu.SemaphoreType.DMA,
            pltpu.SemaphoreType.DMA,
            pltpu.SemaphoreType.DMA,
            pltpu.SemaphoreType.DMA,
            pltpu.SemaphoreType.DMA,
            pltpu.SemaphoreType.DMA,
            pltpu.SemaphoreType.DMA,
            pltpu.SemaphoreType.DMA,
        ],
    )
    def gk(idx_h, tab_h, out_o, idx_v, b0, b1, b2, b3,
           g0, g1, g2, g3, w0, w1, w2, w3):
        wid = lax.axis_index("s") * 2 + lax.axis_index("c")
        rbase = wid * (nch * _CH)
        pltpu.sync_copy(idx_h.at[pl.ds(wid * nch, nch)], idx_v)
        bufs = (b0, b1, b2, b3)
        gsems = (g0, g1, g2, g3)
        wsems = (w0, w1, w2, w3)

        def quad(base):
            gs = [pltpu.async_copy(tab_h.at[idx_v.at[base + i]],
                                   bufs[i], gsems[i]) for i in range(4)]
            wbs = []
            for i in range(4):
                gs[i].wait()
                wbs.append(pltpu.async_copy(
                    bufs[i],
                    out_o.at[pl.ds(rbase + (base + i) * _CH, _CH)],
                    wsems[i]))
            for wb in wbs:
                wb.wait()

        def body(k, carry):
            quad(4 * k)
            return carry

        lax.fori_loop(0, nch // 4, body, 0)
        for c in range(4 * (nch // 4), nch):
            g = pltpu.async_copy(tab_h.at[idx_v.at[c]], bufs[c % 4], gsems[c % 4])
            g.wait()
            pltpu.sync_copy(bufs[c % 4],
                            out_o.at[pl.ds(rbase + c * _CH, _CH)])

    return gk(idx128, table)


def _sc_gather_nodes(nodes128, v2e):

    @functools.partial(
        pl.kernel,
        out_type=jax.ShapeDtypeStruct((_B, _D), jnp.float32),
        mesh=_sc_mesh(),
        compiler_params=pltpu.CompilerParams(use_tc_tiling_on_sc=False),
        scratch_types=[
            pltpu.VMEM((1, _CH), jnp.int32),
            pltpu.VMEM((_CH, _D), jnp.float32),
            pltpu.SemaphoreType.DMA,
        ],
    )
    def gk(nodes_h, v2e_h, vrep_o, idxn_v, rown_v, sem):
        wid = lax.axis_index("s") * 2 + lax.axis_index("c")

        @pl.when(wid < 8)
        def _():
            pltpu.sync_copy(nodes_h.at[pl.ds(wid, 1)], idxn_v)
            pltpu.async_copy(v2e_h.at[idxn_v.at[0]], rown_v, sem).wait()
            pltpu.sync_copy(rown_v, vrep_o.at[pl.ds(wid * _CH, _CH)])

    return gk(nodes128, v2e)


_G = 4
_SEG = _L // _G
_PBB = _BB * _SEG


def _tc_body(eva_r, eaf_r, vrep_r, w1a_r, w1b_r, w1c_r, b1_r, w2_r, b2_r,
             w3_r, eseg_r, esegt_r, out_r):
    dot = functools.partial(jnp.dot, preferred_element_type=jnp.float32)
    ev4 = eva_r[...]
    ea4 = eaf_r[...]
    t4 = dot(ev4, w1a_r[...]) + dot(ea4, w1c_r[...])
    vb128 = dot(vrep_r[...], w1b_r[...]) + b1_r[...]
    h = jnp.maximum(t4 + dot(eseg_r[...], vb128), 0.0)
    h2 = jnp.maximum(dot(h, w2_r[...]) + b2_r[...], 0.0)
    lrep = dot(h2, w3_r[...])
    e = jnp.exp(lrep)
    seg = dot(esegt_r[...], e)
    s = jnp.sum(seg, axis=1, keepdims=True) * (1.0 / 32.0)
    wsum = dot(esegt_r[...], ev4 * e)
    ws = wsum * (1.0 / s)
    out_r[...] = (ws[:, :_D] + ws[:, _D:2 * _D]
                  + ws[:, 2 * _D:3 * _D] + ws[:, 3 * _D:])


def _tc_attend(eva4, eaf4, vrep, w1aBD, w1b128, w1cBD, b1t, w2BD, b2t, w3RE,
               eseg, esegt):
    grid = (_B // _BB,)
    full = lambda shape: pl.BlockSpec(shape, lambda i: (0,) * len(shape))
    return pl.pallas_call(
        _tc_body,
        grid=grid,
        in_specs=[
            pl.BlockSpec((_PBB, 128), lambda i: (i, 0)),
            pl.BlockSpec((_PBB, 128), lambda i: (i, 0)),
            pl.BlockSpec((_BB, _D), lambda i: (i, 0)),
            full((128, 128)),
            full((_D, 128)),
            full((128, 128)),
            full((1, 128)),
            full((128, 128)),
            full((1, 128)),
            full((128, 128)),
            full((_PBB, _BB)),
            full((_BB, _PBB)),
        ],
        out_specs=pl.BlockSpec((_BB, _D), lambda i: (i, 0)),
        out_shape=jax.ShapeDtypeStruct((_B, _D), jnp.float32),
        compiler_params=pltpu.CompilerParams(
            dimension_semantics=("parallel",)),
    )(eva4, eaf4, vrep, w1aBD, w1b128, w1cBD, b1t, w2BD, b2t, w3RE,
      eseg, esegt)


def kernel(nodes, history_va, history_af, v2e, a2e, f2e,
           att1_w, att1_b, att2_w, att2_b, att3_w, att3_b):
    hva128 = history_va.reshape(_NW * _NCH, _CH).astype(jnp.int32)
    haf128 = history_af.reshape(_NW * _NCH, _CH).astype(jnp.int32)
    nodes128 = nodes.reshape(_B // _CH, _CH).astype(jnp.int32)
    vrep = _sc_gather_nodes(nodes128, v2e)
    eaf_f = _sc_gather_table(haf128, f2e)
    eva_f = _sc_gather_table(hva128, a2e)
    eva4 = eva_f.reshape(_B * _L // _G, 128)
    eaf4 = eaf_f.reshape(_B * _L // _G, 128)
    w1a = att1_w[:_D]
    w1b = att1_w[_D:2 * _D]
    w1c = att1_w[2 * _D:]
    eye4 = jnp.eye(_G, dtype=jnp.float32)
    w1aBD = jnp.kron(eye4, w1a)
    w1cBD = jnp.kron(eye4, w1c)
    w2BD = jnp.kron(eye4, att2_w)
    w3RE = jnp.kron(eye4, jnp.tile(att3_w, (1, _D)))
    w1b128 = jnp.tile(w1b, (1, _G))
    b1t = jnp.tile(att1_b, _G).reshape(1, 128)
    b2t = jnp.tile(att2_b, _G).reshape(1, 128)
    eye64 = jnp.eye(_BB, dtype=jnp.float32)
    eseg = jnp.repeat(eye64, _SEG, axis=0)
    esegt = jnp.repeat(eye64, _SEG, axis=1)
    return _tc_attend(eva4, eaf4, vrep, w1aBD, w1b128, w1cBD,
                      b1t, w2BD, b2t, w3RE, eseg, esegt)

# --- scband reference (transcript-rebuilt; emitter-appended) ---
"""Pipeline reference for scband-va-aggregator-90829968376426 (READ-ONLY COPY).

The authoritative reference and input builder live on the scoring server;
editing this copy changes nothing except your own understanding.
"""

import jax, jax.numpy as jnp
import numpy as np

VOCAB = 100000
D = 32
B = 1024
L = 200


def setup_inputs(seed: int = 0) -> dict:
    key = jax.random.key(seed)
    ks = jax.random.split(key, 12)
    return {
        "nodes": jax.random.randint(ks[0], (B,), 0, VOCAB, dtype=jnp.int64) if jax.config.jax_enable_x64 else jax.random.randint(ks[0], (B,), 0, VOCAB),
        "history_va": jax.random.randint(ks[1], (B, L), 0, VOCAB),
        "history_af": jax.random.randint(ks[2], (B, L), 0, VOCAB),
        # embedding tables (nn.Embedding weights)
        "v2e": jax.random.normal(ks[3], (VOCAB, D), dtype=jnp.float32) * 0.02,
        "a2e": jax.random.normal(ks[4], (VOCAB, D), dtype=jnp.float32) * 0.02,
        "f2e": jax.random.normal(ks[5], (VOCAB, D), dtype=jnp.float32) * 0.02,
        # Temporal_Attention params (GraphRec-style: MLP over concat(e_va, va_rep, e_af) -> scalar, softmax over history)
        "att1_w": jax.random.normal(ks[6], (3 * D, D), dtype=jnp.float32) * 0.05,
        "att1_b": jnp.zeros((D,), dtype=jnp.float32),
        "att2_w": jax.random.normal(ks[7], (D, D), dtype=jnp.float32) * 0.05,
        "att2_b": jnp.zeros((D,), dtype=jnp.float32),
        "att3_w": jax.random.normal(ks[8], (D, 1), dtype=jnp.float32) * 0.05,
        "att3_b": jnp.zeros((1,), dtype=jnp.float32),
    }


def reference(nodes, history_va, history_af, v2e, a2e, f2e,
              att1_w, att1_b, att2_w, att2_b, att3_w, att3_b):
    # va=True branch, vectorized over the python per-node loop with fixed hist_len L.
    e_va = jnp.take(a2e, history_va, axis=0)          # [B, L, D] gather
    e_af = jnp.take(f2e, history_af, axis=0)          # [B, L, D] gather
    va_rep = jnp.take(v2e, nodes, axis=0)             # [B, D] gather
    va_rep_exp = jnp.broadcast_to(va_rep[:, None, :], e_va.shape)  # repeat per history item
    x = jnp.concatenate([e_va, va_rep_exp, e_af], axis=-1)          # [B, L, 3D]
    h = jax.nn.relu(x @ att1_w + att1_b)
    h = jax.nn.relu(h @ att2_w + att2_b)
    logits = h @ att3_w + att3_b                       # [B, L, 1]
    att_w = jax.nn.softmax(logits, axis=1)             # softmax over history dim (dim=0 per-node in torch)
    # att_history = (e_va^T @ att_w)^T  == weighted sum over history
    to_feats = jnp.sum(e_va * att_w, axis=1)           # [B, D]
    return to_feats

if __name__ == "__main__":
    import jax
    _d = setup_inputs()
    print(jax.jit(kernel)(*tuple(_d.values())))

</pallas_src>

<mosaic_0001>
#map = affine_map<(d0, d1) -> (0, 0)>
module attributes {stable_mosaic.version = 14 : i64} {
  func.func @gk(%arg0: i32, %arg1: i32, %arg2: memref<8x128xi32, #tpu.memory_space<hbm>>, %arg3: memref<100000x32xf32, #tpu.memory_space<hbm>>, %arg4: memref<1024x32xf32, #tpu.memory_space<hbm>>, %arg5: memref<1x128xi32, #tpu.memory_space<vmem>>, %arg6: memref<128x32xf32, #tpu.memory_space<vmem>>, %arg7: memref<!tpu.dma_semaphore, #tpu.memory_space<semaphore_mem>>) attributes {dimension_semantics = [#tpu.dimension_semantics<core_parallel>, #tpu.dimension_semantics<subcore_parallel>], iteration_bounds = array<i64: 2, 16>, scalar_prefetch = 0 : i64, scratch_operands = 3 : i64, tpu.core_type = #tpu.core_type<sc_vector_subcore>, window_params = [{transform_indices = #map}, {transform_indices = #map}, {transform_indices = #map}]} {
    %mul3A = arith.constant 2 : i32
    %mul3A_0 = arith.muli %arg1, %mul3A : i32
    %add3A = arith.addi %mul3A_0, %arg0 : i32
    %lt3A = arith.constant 8 : i32
    %lt3A_1 = arith.cmpi slt, %add3A, %lt3A : i32
    %convert_element_type3A = arith.extui %lt3A_1 : i1 to i32
    %cond3A = arith.constant 0 : i32
    %cond3A_2 = arith.cmpi ne, %convert_element_type3A, %cond3A : i32
    scf.if %cond3A_2 {
      "tpu.region"() ({
        %run_scoped3A = tpu.sem_alloc : memref<!tpu.dma_semaphore, #tpu.memory_space<semaphore_mem>>
        %dma_start3A_17 = arith.constant 0 : i32
        %dma_start3A_18 = tpu.memref_slice %arg2[%add3A, %dma_start3A_17] : memref<8x128xi32, #tpu.memory_space<hbm>> -> memref<1x128xi32, #tpu.memory_space<hbm>>
        %dma_start3A_19 = arith.constant 0 : i32
        %dma_start3A_20 = tpu.memref_slice %arg2[%add3A, %dma_start3A_19] : memref<8x128xi32, #tpu.memory_space<hbm>> -> memref<1x128xi32, #tpu.memory_space<hbm>>
        tpu.enqueue_dma source(%dma_start3A_20 : memref<1x128xi32, #tpu.memory_space<hbm>>) target(%arg5 : memref<1x128xi32, #tpu.memory_space<vmem>>) target_semaphore(%run_scoped3A : memref<!tpu.dma_semaphore, #tpu.memory_space<semaphore_mem>>)
        %dma_wait3A_21 = arith.constant 0 : i32
        %dma_wait3A_22 = tpu.memref_slice %arg2[%add3A, %dma_wait3A_21] : memref<8x128xi32, #tpu.memory_space<hbm>> -> memref<1x128xi32, #tpu.memory_space<hbm>>
        %dma_wait3A_23 = arith.constant 0 : i32
        %dma_wait3A_24 = tpu.memref_slice %arg2[%add3A, %dma_wait3A_23] : memref<8x128xi32, #tpu.memory_space<hbm>> -> memref<1x128xi32, #tpu.memory_space<hbm>>
        tpu.wait_dma2 semaphore(%run_scoped3A : memref<!tpu.dma_semaphore, #tpu.memory_space<semaphore_mem>>) src(%dma_wait3A_24 : memref<1x128xi32, #tpu.memory_space<hbm>>) dst(%arg5 : memref<1x128xi32, #tpu.memory_space<vmem>>)
        tpu.yield
      }) : () -> ()
      %dma_start3A = arith.constant 0 : i32
      %dma_start3A_3 = arith.constant 0 : i32
      %dma_start3A_4 = tpu.memref_slice %arg5[%dma_start3A, %dma_start3A_3] : memref<1x128xi32, #tpu.memory_space<vmem>> -> memref<1x128xi32, #tpu.memory_space<vmem>>
      %dma_start3A_5 = tpu.memref_squeeze %dma_start3A_4 : memref<1x128xi32, #tpu.memory_space<vmem>> -> memref<128xi32, #tpu.memory_space<vmem>>
      %dma_start3A_6 = arith.constant 0 : i32
      %dma_start3A_7 = arith.constant 0 : i32
      %dma_start3A_8 = tpu.memref_slice %arg3[%dma_start3A_6, %dma_start3A_7] : memref<100000x32xf32, #tpu.memory_space<hbm>> -> memref<100000x32xf32, #tpu.memory_space<hbm>>
      tpu.enqueue_indirect_dma source(%dma_start3A_8 : memref<100000x32xf32, #tpu.memory_space<hbm>>) target(%arg6 : memref<128x32xf32, #tpu.memory_space<vmem>>) offsets(%dma_start3A_5 : memref<128xi32, #tpu.memory_space<vmem>>) semaphore(%arg7 : memref<!tpu.dma_semaphore, #tpu.memory_space<semaphore_mem>>)
      %dma_wait3A = arith.constant 0 : i32
      %dma_wait3A_9 = arith.constant 0 : i32
      %dma_wait3A_10 = tpu.memref_slice %arg5[%dma_wait3A, %dma_wait3A_9] : memref<1x128xi32, #tpu.memory_space<vmem>> -> memref<1x128xi32, #tpu.memory_space<vmem>>
      %dma_wait3A_11 = tpu.memref_squeeze %dma_wait3A_10 : memref<1x128xi32, #tpu.memory_space<vmem>> -> memref<128xi32, #tpu.memory_space<vmem>>
      %dma_wait3A_12 = arith.constant 0 : i32
      %dma_wait3A_13 = arith.constant 0 : i32
      %dma_wait3A_14 = tpu.memref_slice %arg3[%dma_wait3A_12, %dma_wait3A_13] : memref<100000x32xf32, #tpu.memory_space<hbm>> -> memref<100000x32xf32, #tpu.memory_space<hbm>>
      tpu.wait_indirect_dma semaphore(%arg7 : memref<!tpu.dma_semaphore, #tpu.memory_space<semaphore_mem>>) src(%dma_wait3A_14 : memref<100000x32xf32, #tpu.memory_space<hbm>>) dst(%arg6 : memref<128x32xf32, #tpu.memory_space<vmem>>)
      %mul3A_15 = arith.constant 128 : i32
      %mul3A_16 = arith.muli %add3A, %mul3A_15 : i32
      "tpu.region"() ({
        %run_scoped3A = tpu.sem_alloc : memref<!tpu.dma_semaphore, #tpu.memory_space<semaphore_mem>>
        %dma_start3A_17 = arith.constant 0 : i32
        %dma_start3A_18 = tpu.memref_slice %arg4[%mul3A_16, %dma_start3A_17] : memref<1024x32xf32, #tpu.memory_space<hbm>> -> memref<128x32xf32, #tpu.memory_space<hbm>>
        %dma_start3A_19 = arith.constant 0 : i32
        %dma_start3A_20 = tpu.memref_slice %arg4[%mul3A_16, %dma_start3A_19] : memref<1024x32xf32, #tpu.memory_space<hbm>> -> memref<128x32xf32, #tpu.memory_space<hbm>>
        tpu.enqueue_dma source(%arg6 : memref<128x32xf32, #tpu.memory_space<vmem>>) target(%dma_start3A_20 : memref<128x32xf32, #tpu.memory_space<hbm>>) target_semaphore(%run_scoped3A : memref<!tpu.dma_semaphore, #tpu.memory_space<semaphore_mem>>)
        %dma_wait3A_21 = arith.constant 0 : i32
        %dma_wait3A_22 = tpu.memref_slice %arg4[%mul3A_16, %dma_wait3A_21] : memref<1024x32xf32, #tpu.memory_space<hbm>> -> memref<128x32xf32, #tpu.memory_space<hbm>>
        %dma_wait3A_23 = arith.constant 0 : i32
        %dma_wait3A_24 = tpu.memref_slice %arg4[%mul3A_16, %dma_wait3A_23] : memref<1024x32xf32, #tpu.memory_space<hbm>> -> memref<128x32xf32, #tpu.memory_space<hbm>>
        tpu.wait_dma2 semaphore(%run_scoped3A : memref<!tpu.dma_semaphore, #tpu.memory_space<semaphore_mem>>) src(%arg6 : memref<128x32xf32, #tpu.memory_space<vmem>>) dst(%dma_wait3A_24 : memref<128x32xf32, #tpu.memory_space<hbm>>)
        tpu.yield
      }) : () -> ()
    } else {
    }
    return
  }
}

#map = affine_map<(d0, d1) -> (0, 0)>
module attributes {stable_mosaic.version = 14 : i64} {
  func.func @gk(%arg0: i32, %arg1: i32, %arg2: memref<1600x128xi32, #tpu.memory_space<hbm>>, %arg3: memref<100000x32xf32, #tpu.memory_space<hbm>>, %arg4: memref<204800x32xf32, #tpu.memory_space<hbm>>, %arg5: memref<50x128xi32, #tpu.memory_space<vmem>>, %arg6: memref<128x32xf32, #tpu.memory_space<vmem>>, %arg7: memref<128x32xf32, #tpu.memory_space<vmem>>, %arg8: memref<128x32xf32, #tpu.memory_space<vmem>>, %arg9: memref<128x32xf32, #tpu.memory_space<vmem>>, %arg10: memref<!tpu.dma_semaphore, #tpu.memory_space<semaphore_mem>>, %arg11: memref<!tpu.dma_semaphore, #tpu.memory_space<semaphore_mem>>, %arg12: memref<!tpu.dma_semaphore, #tpu.memory_space<semaphore_mem>>, %arg13: memref<!tpu.dma_semaphore, #tpu.memory_space<semaphore_mem>>, %arg14: memref<!tpu.dma_semaphore, #tpu.memory_space<semaphore_mem>>, %arg15: memref<!tpu.dma_semaphore, #tpu.memory_space<semaphore_mem>>, %arg16: memref<!tpu.dma_semaphore, #tpu.memory_space<semaphore_mem>>, %arg17: memref<!tpu.dma_semaphore, #tpu.memory_space<semaphore_mem>>) attributes {dimension_semantics = [#tpu.dimension_semantics<core_parallel>, #tpu.dimension_semantics<subcore_parallel>], iteration_bounds = array<i64: 2, 16>, scalar_prefetch = 0 : i64, scratch_operands = 13 : i64, tpu.core_type = #tpu.core_type<sc_vector_subcore>, window_params = [{transform_indices = #map}, {transform_indices = #map}, {transform_indices = #map}]} {
    %mul3A = arith.constant 2 : i32
    %mul3A_0 = arith.muli %arg1, %mul3A : i32
    %add3A = arith.addi %mul3A_0, %arg0 : i32
    %mul3A_1 = arith.constant 6400 : i32
    %mul3A_2 = arith.muli %add3A, %mul3A_1 : i32
    %mul3A_3 = arith.constant 50 : i32
    %mul3A_4 = arith.muli %add3A, %mul3A_3 : i32
    "tpu.region"() ({
      %run_scoped3A = tpu.sem_alloc : memref<!tpu.dma_semaphore, #tpu.memory_space<semaphore_mem>>
      %dma_start3A_40 = arith.constant 0 : i32
      %dma_start3A_41 = tpu.memref_slice %arg2[%mul3A_4, %dma_start3A_40] : memref<1600x128xi32, #tpu.memory_space<hbm>> -> memref<50x128xi32, #tpu.memory_space<hbm>>
      %dma_start3A_42 = arith.constant 0 : i32
      %dma_start3A_43 = tpu.memref_slice %arg2[%mul3A_4, %dma_start3A_42] : memref<1600x128xi32, #tpu.memory_space<hbm>> -> memref<50x128xi32, #tpu.memory_space<hbm>>
      tpu.enqueue_dma source(%dma_start3A_43 : memref<50x128xi32, #tpu.memory_space<hbm>>) target(%arg5 : memref<50x128xi32, #tpu.memory_space<vmem>>) target_semaphore(%run_scoped3A : memref<!tpu.dma_semaphore, #tpu.memory_space<semaphore_mem>>)
      %dma_wait3A_44 = arith.constant 0 : i32
      %dma_wait3A_45 = tpu.memref_slice %arg2[%mul3A_4, %dma_wait3A_44] : memref<1600x128xi32, #tpu.memory_space<hbm>> -> memref<50x128xi32, #tpu.memory_space<hbm>>
      %dma_wait3A_46 = arith.constant 0 : i32
      %dma_wait3A_47 = tpu.memref_slice %arg2[%mul3A_4, %dma_wait3A_46] : memref<1600x128xi32, #tpu.memory_space<hbm>> -> memref<50x128xi32, #tpu.memory_space<hbm>>
      tpu.wait_dma2 semaphore(%run_scoped3A : memref<!tpu.dma_semaphore, #tpu.memory_space<semaphore_mem>>) src(%dma_wait3A_47 : memref<50x128xi32, #tpu.memory_space<hbm>>) dst(%arg5 : memref<50x128xi32, #tpu.memory_space<vmem>>)
      tpu.yield
    }) : () -> ()
    %scan3A = arith.constant 0 : i32
    %scan3A_5 = arith.constant 0 : i32
    %scan3A_6 = arith.constant 12 : i32
    %scan3A_7 = arith.addi %scan3A_5, %scan3A_6 : i32
    %scan3A_8 = arith.constant 1 : i32
    scf.for %scan3A_40 = %scan3A_5 to %scan3A_7 step %scan3A_8  : i32 {
      %mul3A_41 = arith.constant 4 : i32
      %mul3A_42 = arith.muli %mul3A_41, %scan3A_40 : i32
      %add3A_43 = arith.constant 0 : i32
      %add3A_44 = arith.addi %mul3A_42, %add3A_43 : i32
      %dma_start3A_45 = arith.constant 0 : i32
      %dma_start3A_46 = tpu.memref_slice %arg5[%add3A_44, %dma_start3A_45] : memref<50x128xi32, #tpu.memory_space<vmem>> -> memref<1x128xi32, #tpu.memory_space<vmem>>
      %dma_start3A_47 = tpu.memref_squeeze %dma_start3A_46 : memref<1x128xi32, #tpu.memory_space<vmem>> -> memref<128xi32, #tpu.memory_space<vmem>>
      %dma_start3A_48 = arith.constant 0 : i32
      %dma_start3A_49 = arith.constant 0 : i32
      %dma_start3A_50 = tpu.memref_slice %arg3[%dma_start3A_48, %dma_start3A_49] : memref<100000x32xf32, #tpu.memory_space<hbm>> -> memref<100000x32xf32, #tpu.memory_space<hbm>>
      tpu.enqueue_indirect_dma source(%dma_start3A_50 : memref<100000x32xf32, #tpu.memory_space<hbm>>) target(%arg6 : memref<128x32xf32, #tpu.memory_space<vmem>>) offsets(%dma_start3A_47 : memref<128xi32, #tpu.memory_space<vmem>>) semaphore(%arg10 : memref<!tpu.dma_semaphore, #tpu.memory_space<semaphore_mem>>)
      %add3A_51 = arith.constant 1 : i32
      %add3A_52 = arith.addi %mul3A_42, %add3A_51 : i32
      %dma_start3A_53 = arith.constant 0 : i32
      %dma_start3A_54 = tpu.memref_slice %arg5[%add3A_52, %dma_start3A_53] : memref<50x128xi32, #tpu.memory_space<vmem>> -> memref<1x128xi32, #tpu.memory_space<vmem>>
      %dma_start3A_55 = tpu.memref_squeeze %dma_start3A_54 : memref<1x128xi32, #tpu.memory_space<vmem>> -> memref<128xi32, #tpu.memory_space<vmem>>
      %dma_start3A_56 = arith.constant 0 : i32
      %dma_start3A_57 = arith.constant 0 : i32
      %dma_start3A_58 = tpu.memref_slice %arg3[%dma_start3A_56, %dma_start3A_57] : memref<100000x32xf32, #tpu.memory_space<hbm>> -> memref<100000x32xf32, #tpu.memory_space<hbm>>
      tpu.enqueue_indirect_dma source(%dma_start3A_58 : memref<100000x32xf32, #tpu.memory_space<hbm>>) target(%arg7 : memref<128x32xf32, #tpu.memory_space<vmem>>) offsets(%dma_start3A_55 : memref<128xi32, #tpu.memory_space<vmem>>) semaphore(%arg11 : memref<!tpu.dma_semaphore, #tpu.memory_space<semaphore_mem>>)
      %add3A_59 = arith.constant 2 : i32
      %add3A_60 = arith.addi %mul3A_42, %add3A_59 : i32
      %dma_start3A_61 = arith.constant 0 : i32
      %dma_start3A_62 = tpu.memref_slice %arg5[%add3A_60, %dma_start3A_61] : memref<50x128xi32, #tpu.memory_space<vmem>> -> memref<1x128xi32, #tpu.memory_space<vmem>>
      %dma_start3A_63 = tpu.memref_squeeze %dma_start3A_62 : memref<1x128xi32, #tpu.memory_space<vmem>> -> memref<128xi32, #tpu.memory_space<vmem>>
      %dma_start3A_64 = arith.constant 0 : i32
      %dma_start3A_65 = arith.constant 0 : i32
      %dma_start3A_66 = tpu.memref_slice %arg3[%dma_start3A_64, %dma_start3A_65] : memref<100000x32xf32, #tpu.memory_space<hbm>> -> memref<100000x32xf32, #tpu.memory_space<hbm>>
      tpu.enqueue_indirect_dma source(%dma_start3A_66 : memref<100000x32xf32, #tpu.memory_space<hbm>>) target(%arg8 : memref<128x32xf32, #tpu.memory_space<vmem>>) offsets(%dma_start3A_63 : memref<128xi32, #tpu.memory_space<vmem>>) semaphore(%arg12 : memref<!tpu.dma_semaphore, #tpu.memory_space<semaphore_mem>>)
      %add3A_67 = arith.constant 3 : i32
      %add3A_68 = arith.addi %mul3A_42, %add3A_67 : i32
      %dma_start3A_69 = arith.constant 0 : i32
      %dma_start3A_70 = tpu.memref_slice %arg5[%add3A_68, %dma_start3A_69] : memref<50x128xi32, #tpu.memory_space<vmem>> -> memref<1x128xi32, #tpu.memory_space<vmem>>
      %dma_start3A_71 = tpu.memref_squeeze %dma_start3A_70 : memref<1x128xi32, #tpu.memory_space<vmem>> -> memref<128xi32, #tpu.memory_space<vmem>>
      %dma_start3A_72 = arith.constant 0 : i32
      %dma_start3A_73 = arith.constant 0 : i32
      %dma_start3A_74 = tpu.memref_slice %arg3[%dma_start3A_72, %dma_start3A_73] : memref<100000x32xf32, #tpu.memory_space<hbm>> -> memref<100000x32xf32, #tpu.memory_space<hbm>>
      tpu.enqueue_indirect_dma source(%dma_start3A_74 : memref<100000x32xf32, #tpu.memory_space<hbm>>) target(%arg9 : memref<128x32xf32, #tpu.memory_space<vmem>>) offsets(%dma_start3A_71 : memref<128xi32, #tpu.memory_space<vmem>>) semaphore(%arg13 : memref<!tpu.dma_semaphore, #tpu.memory_space<semaphore_mem>>)
      %dma_wait3A_75 = arith.constant 0 : i32
      %dma_wait3A_76 = tpu.memref_slice %arg5[%add3A_44, %dma_wait3A_75] : memref<50x128xi32, #tpu.memory_space<vmem>> -> memref<1x128xi32, #tpu.memory_space<vmem>>
      %dma_wait3A_77 = tpu.memref_squeeze %dma_wait3A_76 : memref<1x128xi32, #tpu.memory_space<vmem>> -> memref<128xi32, #tpu.memory_space<vmem>>
      %dma_wait3A_78 = arith.constant 0 : i32
      %dma_wait3A_79 = arith.constant 0 : i32
      %dma_wait3A_80 = tpu.memref_slice %arg3[%dma_wait3A_78, %dma_wait3A_79] : memref<100000x32xf32, #tpu.memory_space<hbm>> -> memref<100000x32xf32, #tpu.memory_space<hbm>>
      tpu.wait_indirect_dma semaphore(%arg10 : memref<!tpu.dma_semaphore, #tpu.memory_space<semaphore_mem>>) src(%dma_wait3A_80 : memref<100000x32xf32, #tpu.memory_space<hbm>>) dst(%arg6 : memref<128x32xf32, #tpu.memory_space<vmem>>)
      %add3A_81 = arith.constant 0 : i32
      %add3A_82 = arith.addi %mul3A_42, %add3A_81 : i32
      %mul3A_83 = arith.constant 128 : i32
      %mul3A_84 = arith.muli %add3A_82, %mul3A_83 : i32
      %add3A_85 = arith.addi %mul3A_2, %mul3A_84 : i32
      %dma_start3A_86 = arith.constant 0 : i32
      %dma_start3A_87 = tpu.memref_slice %arg4[%add3A_85, %dma_start3A_86] : memref<204800x32xf32, #tpu.memory_space<hbm>> -> memref<128x32xf32, #tpu.memory_space<hbm>>
      %dma_start3A_88 = arith.constant 0 : i32
      %dma_start3A_89 = tpu.memref_slice %arg4[%add3A_85, %dma_start3A_88] : memref<204800x32xf32, #tpu.memory_space<hbm>> -> memref<128x32xf32, #tpu.memory_space<hbm>>
      tpu.enqueue_dma source(%arg6 : memref<128x32xf32, #tpu.memory_space<vmem>>) target(%dma_start3A_89 : memref<128x32xf32, #tpu.memory_space<hbm>>) target_semaphore(%arg14 : memref<!tpu.dma_semaphore, #tpu.memory_space<semaphore_mem>>)
      %dma_wait3A_90 = arith.constant 0 : i32
      %dma_wait3A_91 = tpu.memref_slice %arg5[%add3A_52, %dma_wait3A_90] : memref<50x128xi32, #tpu.memory_space<vmem>> -> memref<1x128xi32, #tpu.memory_space<vmem>>
      %dma_wait3A_92 = tpu.memref_squeeze %dma_wait3A_91 : memref<1x128xi32, #tpu.memory_space<vmem>> -> memref<128xi32, #tpu.memory_space<vmem>>
      %dma_wait3A_93 = arith.constant 0 : i32
      %dma_wait3A_94 = arith.constant 0 : i32
      %dma_wait3A_95 = tpu.memref_slice %arg3[%dma_wait3A_93, %dma_wait3A_94] : memref<100000x32xf32, #tpu.memory_space<hbm>> -> memref<100000x32xf32, #tpu.memory_space<hbm>>
      tpu.wait_indirect_dma semaphore(%arg11 : memref<!tpu.dma_semaphore, #tpu.memory_space<semaphore_mem>>) src(%dma_wait3A_95 : memref<100000x32xf32, #tpu.memory_space<hbm>>) dst(%arg7 : memref<128x32xf32, #tpu.memory_space<vmem>>)
      %add3A_96 = arith.constant 1 : i32
      %add3A_97 = arith.addi %mul3A_42, %add3A_96 : i32
      %mul3A_98 = arith.constant 128 : i32
      %mul3A_99 = arith.muli %add3A_97, %mul3A_98 : i32
      %add3A_100 = arith.addi %mul3A_2, %mul3A_99 : i32
      %dma_start3A_101 = arith.constant 0 : i32
      %dma_start3A_102 = tpu.memref_slice %arg4[%add3A_100, %dma_start3A_101] : memref<204800x32xf32, #tpu.memory_space<hbm>> -> memref<128x32xf32, #tpu.memory_space<hbm>>
      %dma_start3A_103 = arith.constant 0 : i32
      %dma_start3A_104 = tpu.memref_slice %arg4[%add3A_100, %dma_start3A_103] : memref<204800x32xf32, #tpu.memory_space<hbm>> -> memref<128x32xf32, #tpu.memory_space<hbm>>
      tpu.enqueue_dma source(%arg7 : memref<128x32xf32, #tpu.memory_space<vmem>>) target(%dma_start3A_104 : memref<128x32xf32, #tpu.memory_space<hbm>>) target_semaphore(%arg15 : memref<!tpu.dma_semaphore, #tpu.memory_space<semaphore_mem>>)
      %dma_wait3A_105 = arith.constant 0 : i32
      %dma_wait3A_106 = tpu.memref_slice %arg5[%add3A_60, %dma_wait3A_105] : memref<50x128xi32, #tpu.memory_space<vmem>> -> memref<1x128xi32, #tpu.memory_space<vmem>>
      %dma_wait3A_107 = tpu.memref_squeeze %dma_wait3A_106 : memref<1x128xi32, #tpu.memory_space<vmem>> -> memref<128xi32, #tpu.memory_space<vmem>>
      %dma_wait3A_108 = arith.constant 0 : i32
      %dma_wait3A_109 = arith.constant 0 : i32
      %dma_wait3A_110 = tpu.memref_slice %arg3[%dma_wait3A_108, %dma_wait3A_109] : memref<100000x32xf32, #tpu.memory_space<hbm>> -> memref<100000x32xf32, #tpu.memory_space<hbm>>
      tpu.wait_indirect_dma semaphore(%arg12 : memref<!tpu.dma_semaphore, #tpu.memory_space<semaphore_mem>>) src(%dma_wait3A_110 : memref<100000x32xf32, #tpu.memory_space<hbm>>) dst(%arg8 : memref<128x32xf32, #tpu.memory_space<vmem>>)
      %add3A_111 = arith.constant 2 : i32
      %add3A_112 = arith.addi %mul3A_42, %add3A_111 : i32
      %mul3A_113 = arith.constant 128 : i32
      %mul3A_114 = arith.muli %add3A_112, %mul3A_113 : i32
      %add3A_115 = arith.addi %mul3A_2, %mul3A_114 : i32
      %dma_start3A_116 = arith.constant 0 : i32
      %dma_start3A_117 = tpu.memref_slice %arg4[%add3A_115, %dma_start3A_116] : memref<204800x32xf32, #tpu.memory_space<hbm>> -> memref<128x32xf32, #tpu.memory_space<hbm>>
      %dma_start3A_118 = arith.constant 0 : i32
      %dma_start3A_119 = tpu.memref_slice %arg4[%add3A_115, %dma_start3A_118] : memref<204800x32xf32, #tpu.memory_space<hbm>> -> memref<128x32xf32, #tpu.memory_space<hbm>>
      tpu.enqueue_dma source(%arg8 : memref<128x32xf32, #tpu.memory_space<vmem>>) target(%dma_start3A_119 : memref<128x32xf32, #tpu.memory_space<hbm>>) target_semaphore(%arg16 : memref<!tpu.dma_semaphore, #tpu.memory_space<semaphore_mem>>)
      %dma_wait3A_120 = arith.constant 0 : i32
      %dma_wait3A_121 = tpu.memref_slice %arg5[%add3A_68, %dma_wait3A_120] : memref<50x128xi32, #tpu.memory_space<vmem>> -> memref<1x128xi32, #tpu.memory_space<vmem>>
      %dma_wait3A_122 = tpu.memref_squeeze %dma_wait3A_121 : memref<1x128xi32, #tpu.memory_space<vmem>> -> memref<128xi32, #tpu.memory_space<vmem>>
      %dma_wait3A_123 = arith.constant 0 : i32
      %dma_wait3A_124 = arith.constant 0 : i32
      %dma_wait3A_125 = tpu.memref_slice %arg3[%dma_wait3A_123, %dma_wait3A_124] : memref<100000x32xf32, #tpu.memory_space<hbm>> -> memref<100000x32xf32, #tpu.memory_space<hbm>>
      tpu.wait_indirect_dma semaphore(%arg13 : memref<!tpu.dma_semaphore, #tpu.memory_space<semaphore_mem>>) src(%dma_wait3A_125 : memref<100000x32xf32, #tpu.memory_space<hbm>>) dst(%arg9 : memref<128x32xf32, #tpu.memory_space<vmem>>)
      %add3A_126 = arith.constant 3 : i32
      %add3A_127 = arith.addi %mul3A_42, %add3A_126 : i32
      %mul3A_128 = arith.constant 128 : i32
      %mul3A_129 = arith.muli %add3A_127, %mul3A_128 : i32
      %add3A_130 = arith.addi %mul3A_2, %mul3A_129 : i32
      %dma_start3A_131 = arith.constant 0 : i32
      %dma_start3A_132 = tpu.memref_slice %arg4[%add3A_130, %dma_start3A_131] : memref<204800x32xf32, #tpu.memory_space<hbm>> -> memref<128x32xf32, #tpu.memory_space<hbm>>
      %dma_start3A_133 = arith.constant 0 : i32
      %dma_start3A_134 = tpu.memref_slice %arg4[%add3A_130, %dma_start3A_133] : memref<204800x32xf32, #tpu.memory_space<hbm>> -> memref<128x32xf32, #tpu.memory_space<hbm>>
      tpu.enqueue_dma source(%arg9 : memref<128x32xf32, #tpu.memory_space<vmem>>) target(%dma_start3A_134 : memref<128x32xf32, #tpu.memory_space<hbm>>) target_semaphore(%arg17 : memref<!tpu.dma_semaphore, #tpu.memory_space<semaphore_mem>>)
      %dma_wait3A_135 = arith.constant 0 : i32
      %dma_wait3A_136 = tpu.memref_slice %arg4[%add3A_85, %dma_wait3A_135] : memref<204800x32xf32, #tpu.memory_space<hbm>> -> memref<128x32xf32, #tpu.memory_space<hbm>>
      %dma_wait3A_137 = arith.constant 0 : i32
      %dma_wait3A_138 = tpu.memref_slice %arg4[%add3A_85, %dma_wait3A_137] : memref<204800x32xf32, #tpu.memory_space<hbm>> -> memref<128x32xf32, #tpu.memory_space<hbm>>
      tpu.wait_dma2 semaphore(%arg14 : memref<!tpu.dma_semaphore, #tpu.memory_space<semaphore_mem>>) src(%arg6 : memref<128x32xf32, #tpu.memory_space<vmem>>) dst(%dma_wait3A_138 : memref<128x32xf32, #tpu.memory_space<hbm>>)
      %dma_wait3A_139 = arith.constant 0 : i32
      %dma_wait3A_140 = tpu.memref_slice %arg4[%add3A_100, %dma_wait3A_139] : memref<204800x32xf32, #tpu.memory_space<hbm>> -> memref<128x32xf32, #tpu.memory_space<hbm>>
      %dma_wait3A_141 = arith.constant 0 : i32
      %dma_wait3A_142 = tpu.memref_slice %arg4[%add3A_100, %dma_wait3A_141] : memref<204800x32xf32, #tpu.memory_space<hbm>> -> memref<128x32xf32, #tpu.memory_space<hbm>>
      tpu.wait_dma2 semaphore(%arg15 : memref<!tpu.dma_semaphore, #tpu.memory_space<semaphore_mem>>) src(%arg7 : memref<128x32xf32, #tpu.memory_space<vmem>>) dst(%dma_wait3A_142 : memref<128x32xf32, #tpu.memory_space<hbm>>)
      %dma_wait3A_143 = arith.constant 0 : i32
      %dma_wait3A_144 = tpu.memref_slice %arg4[%add3A_115, %dma_wait3A_143] : memref<204800x32xf32, #tpu.memory_space<hbm>> -> memref<128x32xf32, #tpu.memory_space<hbm>>
      %dma_wait3A_145 = arith.constant 0 : i32
      %dma_wait3A_146 = tpu.memref_slice %arg4[%add3A_115, %dma_wait3A_145] : memref<204800x32xf32, #tpu.memory_space<hbm>> -> memref<128x32xf32, #tpu.memory_space<hbm>>
      tpu.wait_dma2 semaphore(%arg16 : memref<!tpu.dma_semaphore, #tpu.memory_space<semaphore_mem>>) src(%arg8 : memref<128x32xf32, #tpu.memory_space<vmem>>) dst(%dma_wait3A_146 : memref<128x32xf32, #tpu.memory_space<hbm>>)
      %dma_wait3A_147 = arith.constant 0 : i32
      %dma_wait3A_148 = tpu.memref_slice %arg4[%add3A_130, %dma_wait3A_147] : memref<204800x32xf32, #tpu.memory_space<hbm>> -> memref<128x32xf32, #tpu.memory_space<hbm>>
      %dma_wait3A_149 = arith.constant 0 : i32
      %dma_wait3A_150 = tpu.memref_slice %arg4[%add3A_130, %dma_wait3A_149] : memref<204800x32xf32, #tpu.memory_space<hbm>> -> memref<128x32xf32, #tpu.memory_space<hbm>>
      tpu.wait_dma2 semaphore(%arg17 : memref<!tpu.dma_semaphore, #tpu.memory_space<semaphore_mem>>) src(%arg9 : memref<128x32xf32, #tpu.memory_space<vmem>>) dst(%dma_wait3A_150 : memref<128x32xf32, #tpu.memory_space<hbm>>)
    }
    %scan3A_9 = arith.constant 12 : i32
    %dma_start3A = arith.constant 48 : i32
    %dma_start3A_10 = arith.constant 0 : i32
    %dma_start3A_11 = tpu.memref_slice %arg5[%dma_start3A, %dma_start3A_10] : memref<50x128xi32, #tpu.memory_space<vmem>> -> memref<1x128xi32, #tpu.memory_space<vmem>>
    %dma_start3A_12 = tpu.memref_squeeze %dma_start3A_11 : memref<1x128xi32, #tpu.memory_space<vmem>> -> memref<128xi32, #tpu.memory_space<vmem>>
    %dma_start3A_13 = arith.constant 0 : i32
    %dma_start3A_14 = arith.constant 0 : i32
    %dma_start3A_15 = tpu.memref_slice %arg3[%dma_start3A_13, %dma_start3A_14] : memref<100000x32xf32, #tpu.memory_space<hbm>> -> memref<100000x32xf32, #tpu.memory_space<hbm>>
    tpu.enqueue_indirect_dma source(%dma_start3A_15 : memref<100000x32xf32, #tpu.memory_space<hbm>>) target(%arg6 : memref<128x32xf32, #tpu.memory_space<vmem>>) offsets(%dma_start3A_12 : memref<128xi32, #tpu.memory_space<vmem>>) semaphore(%arg10 : memref<!tpu.dma_semaphore, #tpu.memory_space<semaphore_mem>>)
    %dma_wait3A = arith.constant 48 : i32
    %dma_wait3A_16 = arith.constant 0 : i32
    %dma_wait3A_17 = tpu.memref_slice %arg5[%dma_wait3A, %dma_wait3A_16] : memref<50x128xi32, #tpu.memory_space<vmem>> -> memref<1x128xi32, #tpu.memory_space<vmem>>
    %dma_wait3A_18 = tpu.memref_squeeze %dma_wait3A_17 : memref<1x128xi32, #tpu.memory_space<vmem>> -> memref<128xi32, #tpu.memory_space<vmem>>
    %dma_wait3A_19 = arith.constant 0 : i32
    %dma_wait3A_20 = arith.constant 0 : i32
    %dma_wait3A_21 = tpu.memref_slice %arg3[%dma_wait3A_19, %dma_wait3A_20] : memref<100000x32xf32, #tpu.memory_space<hbm>> -> memref<100000x32xf32, #tpu.memory_space<hbm>>
    tpu.wait_indirect_dma semaphore(%arg10 : memref<!tpu.dma_semaphore, #tpu.memory_space<semaphore_mem>>) src(%dma_wait3A_21 : memref<100000x32xf32, #tpu.memory_space<hbm>>) dst(%arg6 : memref<128x32xf32, #tpu.memory_space<vmem>>)
    %add3A_22 = arith.constant 6144 : i32
    %add3A_23 = arith.addi %mul3A_2, %add3A_22 : i32
    "tpu.region"() ({
      %run_scoped3A = tpu.sem_alloc : memref<!tpu.dma_semaphore, #tpu.memory_space<semaphore_mem>>
      %dma_start3A_40 = arith.constant 0 : i32
      %dma_start3A_41 = tpu.memref_slice %arg4[%add3A_23, %dma_start3A_40] : memref<204800x32xf32, #tpu.memory_space<hbm>> -> memref<128x32xf32, #tpu.memory_space<hbm>>
      %dma_start3A_42 = arith.constant 0 : i32
      %dma_start3A_43 = tpu.memref_slice %arg4[%add3A_23, %dma_start3A_42] : memref<204800x32xf32, #tpu.memory_space<hbm>> -> memref<128x32xf32, #tpu.memory_space<hbm>>
      tpu.enqueue_dma source(%arg6 : memref<128x32xf32, #tpu.memory_space<vmem>>) target(%dma_start3A_43 : memref<128x32xf32, #tpu.memory_space<hbm>>) target_semaphore(%run_scoped3A : memref<!tpu.dma_semaphore, #tpu.memory_space<semaphore_mem>>)
      %dma_wait3A_44 = arith.constant 0 : i32
      %dma_wait3A_45 = tpu.memref_slice %arg4[%add3A_23, %dma_wait3A_44] : memref<204800x32xf32, #tpu.memory_space<hbm>> -> memref<128x32xf32, #tpu.memory_space<hbm>>
      %dma_wait3A_46 = arith.constant 0 : i32
      %dma_wait3A_47 = tpu.memref_slice %arg4[%add3A_23, %dma_wait3A_46] : memref<204800x32xf32, #tpu.memory_space<hbm>> -> memref<128x32xf32, #tpu.memory_space<hbm>>
      tpu.wait_dma2 semaphore(%run_scoped3A : memref<!tpu.dma_semaphore, #tpu.memory_space<semaphore_mem>>) src(%arg6 : memref<128x32xf32, #tpu.memory_space<vmem>>) dst(%dma_wait3A_47 : memref<128x32xf32, #tpu.memory_space<hbm>>)
      tpu.yield
    }) : () -> ()
    %dma_start3A_24 = arith.constant 49 : i32
    %dma_start3A_25 = arith.constant 0 : i32
    %dma_start3A_26 = tpu.memref_slice %arg5[%dma_start3A_24, %dma_start3A_25] : memref<50x128xi32, #tpu.memory_space<vmem>> -> memref<1x128xi32, #tpu.memory_space<vmem>>
    %dma_start3A_27 = tpu.memref_squeeze %dma_start3A_26 : memref<1x128xi32, #tpu.memory_space<vmem>> -> memref<128xi32, #tpu.memory_space<vmem>>
    %dma_start3A_28 = arith.constant 0 : i32
    %dma_start3A_29 = arith.constant 0 : i32
    %dma_start3A_30 = tpu.memref_slice %arg3[%dma_start3A_28, %dma_start3A_29] : memref<100000x32xf32, #tpu.memory_space<hbm>> -> memref<100000x32xf32, #tpu.memory_space<hbm>>
    tpu.enqueue_indirect_dma source(%dma_start3A_30 : memref<100000x32xf32, #tpu.memory_space<hbm>>) target(%arg7 : memref<128x32xf32, #tpu.memory_space<vmem>>) offsets(%dma_start3A_27 : memref<128xi32, #tpu.memory_space<vmem>>) semaphore(%arg11 : memref<!tpu.dma_semaphore, #tpu.memory_space<semaphore_mem>>)
    %dma_wait3A_31 = arith.constant 49 : i32
    %dma_wait3A_32 = arith.constant 0 : i32
    %dma_wait3A_33 = tpu.memref_slice %arg5[%dma_wait3A_31, %dma_wait3A_32] : memref<50x128xi32, #tpu.memory_space<vmem>> -> memref<1x128xi32, #tpu.memory_space<vmem>>
    %dma_wait3A_34 = tpu.memref_squeeze %dma_wait3A_33 : memref<1x128xi32, #tpu.memory_space<vmem>> -> memref<128xi32, #tpu.memory_space<vmem>>
    %dma_wait3A_35 = arith.constant 0 : i32
    %dma_wait3A_36 = arith.constant 0 : i32
    %dma_wait3A_37 = tpu.memref_slice %arg3[%dma_wait3A_35, %dma_wait3A_36] : memref<100000x32xf32, #tpu.memory_space<hbm>> -> memref<100000x32xf32, #tpu.memory_space<hbm>>
    tpu.wait_indirect_dma semaphore(%arg11 : memref<!tpu.dma_semaphore, #tpu.memory_space<semaphore_mem>>) src(%dma_wait3A_37 : memref<100000x32xf32, #tpu.memory_space<hbm>>) dst(%arg7 : memref<128x32xf32, #tpu.memory_space<vmem>>)
    %add3A_38 = arith.constant 6272 : i32
    %add3A_39 = arith.addi %mul3A_2, %add3A_38 : i32
    "tpu.region"() ({
      %run_scoped3A = tpu.sem_alloc : memref<!tpu.dma_semaphore, #tpu.memory_space<semaphore_mem>>
      %dma_start3A_40 = arith.constant 0 : i32
      %dma_start3A_41 = tpu.memref_slice %arg4[%add3A_39, %dma_start3A_40] : memref<204800x32xf32, #tpu.memory_space<hbm>> -> memref<128x32xf32, #tpu.memory_space<hbm>>
      %dma_start3A_42 = arith.constant 0 : i32
      %dma_start3A_43 = tpu.memref_slice %arg4[%add3A_39, %dma_start3A_42] : memref<204800x32xf32, #tpu.memory_space<hbm>> -> memref<128x32xf32, #tpu.memory_space<hbm>>
      tpu.enqueue_dma source(%arg7 : memref<128x32xf32, #tpu.memory_space<vmem>>) target(%dma_start3A_43 : memref<128x32xf32, #tpu.memory_space<hbm>>) target_semaphore(%run_scoped3A : memref<!tpu.dma_semaphore, #tpu.memory_space<semaphore_mem>>)
      %dma_wait3A_44 = arith.constant 0 : i32
      %dma_wait3A_45 = tpu.memref_slice %arg4[%add3A_39, %dma_wait3A_44] : memref<204800x32xf32, #tpu.memory_space<hbm>> -> memref<128x32xf32, #tpu.memory_space<hbm>>
      %dma_wait3A_46 = arith.constant 0 : i32
      %dma_wait3A_47 = tpu.memref_slice %arg4[%add3A_39, %dma_wait3A_46] : memref<204800x32xf32, #tpu.memory_space<hbm>> -> memref<128x32xf32, #tpu.memory_space<hbm>>
      tpu.wait_dma2 semaphore(%run_scoped3A : memref<!tpu.dma_semaphore, #tpu.memory_space<semaphore_mem>>) src(%arg7 : memref<128x32xf32, #tpu.memory_space<vmem>>) dst(%dma_wait3A_47 : memref<128x32xf32, #tpu.memory_space<hbm>>)
      tpu.yield
    }) : () -> ()
    return
  }
}

#map = affine_map<(d0, d1) -> (0, 0)>
module attributes {stable_mosaic.version = 14 : i64} {
  func.func @gk(%arg0: i32, %arg1: i32, %arg2: memref<1600x128xi32, #tpu.memory_space<hbm>>, %arg3: memref<100000x32xf32, #tpu.memory_space<hbm>>, %arg4: memref<204800x32xf32, #tpu.memory_space<hbm>>, %arg5: memref<50x128xi32, #tpu.memory_space<vmem>>, %arg6: memref<128x32xf32, #tpu.memory_space<vmem>>, %arg7: memref<128x32xf32, #tpu.memory_space<vmem>>, %arg8: memref<128x32xf32, #tpu.memory_space<vmem>>, %arg9: memref<128x32xf32, #tpu.memory_space<vmem>>, %arg10: memref<!tpu.dma_semaphore, #tpu.memory_space<semaphore_mem>>, %arg11: memref<!tpu.dma_semaphore, #tpu.memory_space<semaphore_mem>>, %arg12: memref<!tpu.dma_semaphore, #tpu.memory_space<semaphore_mem>>, %arg13: memref<!tpu.dma_semaphore, #tpu.memory_space<semaphore_mem>>, %arg14: memref<!tpu.dma_semaphore, #tpu.memory_space<semaphore_mem>>, %arg15: memref<!tpu.dma_semaphore, #tpu.memory_space<semaphore_mem>>, %arg16: memref<!tpu.dma_semaphore, #tpu.memory_space<semaphore_mem>>, %arg17: memref<!tpu.dma_semaphore, #tpu.memory_space<semaphore_mem>>) attributes {dimension_semantics = [#tpu.dimension_semantics<core_parallel>, #tpu.dimension_semantics<subcore_parallel>], iteration_bounds = array<i64: 2, 16>, scalar_prefetch = 0 : i64, scratch_operands = 13 : i64, tpu.core_type = #tpu.core_type<sc_vector_subcore>, window_params = [{transform_indices = #map}, {transform_indices = #map}, {transform_indices = #map}]} {
    %mul3A = arith.constant 2 : i32
    %mul3A_0 = arith.muli %arg1, %mul3A : i32
    %add3A = arith.addi %mul3A_0, %arg0 : i32
    %mul3A_1 = arith.constant 6400 : i32
    %mul3A_2 = arith.muli %add3A, %mul3A_1 : i32
    %mul3A_3 = arith.constant 50 : i32
    %mul3A_4 = arith.muli %add3A, %mul3A_3 : i32
    "tpu.region"() ({
      %run_scoped3A = tpu.sem_alloc : memref<!tpu.dma_semaphore, #tpu.memory_space<semaphore_mem>>
      %dma_start3A_40 = arith.constant 0 : i32
      %dma_start3A_41 = tpu.memref_slice %arg2[%mul3A_4, %dma_start3A_40] : memref<1600x128xi32, #tpu.memory_space<hbm>> -> memref<50x128xi32, #tpu.memory_space<hbm>>
      %dma_start3A_42 = arith.constant 0 : i32
      %dma_start3A_43 = tpu.memref_slice %arg2[%mul3A_4, %dma_start3A_42] : memref<1600x128xi32, #tpu.memory_space<hbm>> -> memref<50x128xi32, #tpu.memory_space<hbm>>
      tpu.enqueue_dma source(%dma_start3A_43 : memref<50x128xi32, #tpu.memory_space<hbm>>) target(%arg5 : memref<50x128xi32, #tpu.memory_space<vmem>>) target_semaphore(%run_scoped3A : memref<!tpu.dma_semaphore, #tpu.memory_space<semaphore_mem>>)
      %dma_wait3A_44 = arith.constant 0 : i32
      %dma_wait3A_45 = tpu.memref_slice %arg2[%mul3A_4, %dma_wait3A_44] : memref<1600x128xi32, #tpu.memory_space<hbm>> -> memref<50x128xi32, #tpu.memory_space<hbm>>
      %dma_wait3A_46 = arith.constant 0 : i32
      %dma_wait3A_47 = tpu.memref_slice %arg2[%mul3A_4, %dma_wait3A_46] : memref<1600x128xi32, #tpu.memory_space<hbm>> -> memref<50x128xi32, #tpu.memory_space<hbm>>
      tpu.wait_dma2 semaphore(%run_scoped3A : memref<!tpu.dma_semaphore, #tpu.memory_space<semaphore_mem>>) src(%dma_wait3A_47 : memref<50x128xi32, #tpu.memory_space<hbm>>) dst(%arg5 : memref<50x128xi32, #tpu.memory_space<vmem>>)
      tpu.yield
    }) : () -> ()
    %scan3A = arith.constant 0 : i32
    %scan3A_5 = arith.constant 0 : i32
    %scan3A_6 = arith.constant 12 : i32
    %scan3A_7 = arith.addi %scan3A_5, %scan3A_6 : i32
    %scan3A_8 = arith.constant 1 : i32
    scf.for %scan3A_40 = %scan3A_5 to %scan3A_7 step %scan3A_8  : i32 {
      %mul3A_41 = arith.constant 4 : i32
      %mul3A_42 = arith.muli %mul3A_41, %scan3A_40 : i32
      %add3A_43 = arith.constant 0 : i32
      %add3A_44 = arith.addi %mul3A_42, %add3A_43 : i32
      %dma_start3A_45 = arith.constant 0 : i32
      %dma_start3A_46 = tpu.memref_slice %arg5[%add3A_44, %dma_start3A_45] : memref<50x128xi32, #tpu.memory_space<vmem>> -> memref<1x128xi32, #tpu.memory_space<vmem>>
      %dma_start3A_47 = tpu.memref_squeeze %dma_start3A_46 : memref<1x128xi32, #tpu.memory_space<vmem>> -> memref<128xi32, #tpu.memory_space<vmem>>
      %dma_start3A_48 = arith.constant 0 : i32
      %dma_start3A_49 = arith.constant 0 : i32
      %dma_start3A_50 = tpu.memref_slice %arg3[%dma_start3A_48, %dma_start3A_49] : memref<100000x32xf32, #tpu.memory_space<hbm>> -> memref<100000x32xf32, #tpu.memory_space<hbm>>
      tpu.enqueue_indirect_dma source(%dma_start3A_50 : memref<100000x32xf32, #tpu.memory_space<hbm>>) target(%arg6 : memref<128x32xf32, #tpu.memory_space<vmem>>) offsets(%dma_start3A_47 : memref<128xi32, #tpu.memory_space<vmem>>) semaphore(%arg10 : memref<!tpu.dma_semaphore, #tpu.memory_space<semaphore_mem>>)
      %add3A_51 = arith.constant 1 : i32
      %add3A_52 = arith.addi %mul3A_42, %add3A_51 : i32
      %dma_start3A_53 = arith.constant 0 : i32
      %dma_start3A_54 = tpu.memref_slice %arg5[%add3A_52, %dma_start3A_53] : memref<50x128xi32, #tpu.memory_space<vmem>> -> memref<1x128xi32, #tpu.memory_space<vmem>>
      %dma_start3A_55 = tpu.memref_squeeze %dma_start3A_54 : memref<1x128xi32, #tpu.memory_space<vmem>> -> memref<128xi32, #tpu.memory_space<vmem>>
      %dma_start3A_56 = arith.constant 0 : i32
      %dma_start3A_57 = arith.constant 0 : i32
      %dma_start3A_58 = tpu.memref_slice %arg3[%dma_start3A_56, %dma_start3A_57] : memref<100000x32xf32, #tpu.memory_space<hbm>> -> memref<100000x32xf32, #tpu.memory_space<hbm>>
      tpu.enqueue_indirect_dma source(%dma_start3A_58 : memref<100000x32xf32, #tpu.memory_space<hbm>>) target(%arg7 : memref<128x32xf32, #tpu.memory_space<vmem>>) offsets(%dma_start3A_55 : memref<128xi32, #tpu.memory_space<vmem>>) semaphore(%arg11 : memref<!tpu.dma_semaphore, #tpu.memory_space<semaphore_mem>>)
      %add3A_59 = arith.constant 2 : i32
      %add3A_60 = arith.addi %mul3A_42, %add3A_59 : i32
      %dma_start3A_61 = arith.constant 0 : i32
      %dma_start3A_62 = tpu.memref_slice %arg5[%add3A_60, %dma_start3A_61] : memref<50x128xi32, #tpu.memory_space<vmem>> -> memref<1x128xi32, #tpu.memory_space<vmem>>
      %dma_start3A_63 = tpu.memref_squeeze %dma_start3A_62 : memref<1x128xi32, #tpu.memory_space<vmem>> -> memref<128xi32, #tpu.memory_space<vmem>>
      %dma_start3A_64 = arith.constant 0 : i32
      %dma_start3A_65 = arith.constant 0 : i32
      %dma_start3A_66 = tpu.memref_slice %arg3[%dma_start3A_64, %dma_start3A_65] : memref<100000x32xf32, #tpu.memory_space<hbm>> -> memref<100000x32xf32, #tpu.memory_space<hbm>>
      tpu.enqueue_indirect_dma source(%dma_start3A_66 : memref<100000x32xf32, #tpu.memory_space<hbm>>) target(%arg8 : memref<128x32xf32, #tpu.memory_space<vmem>>) offsets(%dma_start3A_63 : memref<128xi32, #tpu.memory_space<vmem>>) semaphore(%arg12 : memref<!tpu.dma_semaphore, #tpu.memory_space<semaphore_mem>>)
      %add3A_67 = arith.constant 3 : i32
      %add3A_68 = arith.addi %mul3A_42, %add3A_67 : i32
      %dma_start3A_69 = arith.constant 0 : i32
      %dma_start3A_70 = tpu.memref_slice %arg5[%add3A_68, %dma_start3A_69] : memref<50x128xi32, #tpu.memory_space<vmem>> -> memref<1x128xi32, #tpu.memory_space<vmem>>
      %dma_start3A_71 = tpu.memref_squeeze %dma_start3A_70 : memref<1x128xi32, #tpu.memory_space<vmem>> -> memref<128xi32, #tpu.memory_space<vmem>>
      %dma_start3A_72 = arith.constant 0 : i32
      %dma_start3A_73 = arith.constant 0 : i32
      %dma_start3A_74 = tpu.memref_slice %arg3[%dma_start3A_72, %dma_start3A_73] : memref<100000x32xf32, #tpu.memory_space<hbm>> -> memref<100000x32xf32, #tpu.memory_space<hbm>>
      tpu.enqueue_indirect_dma source(%dma_start3A_74 : memref<100000x32xf32, #tpu.memory_space<hbm>>) target(%arg9 : memref<128x32xf32, #tpu.memory_space<vmem>>) offsets(%dma_start3A_71 : memref<128xi32, #tpu.memory_space<vmem>>) semaphore(%arg13 : memref<!tpu.dma_semaphore, #tpu.memory_space<semaphore_mem>>)
      %dma_wait3A_75 = arith.constant 0 : i32
      %dma_wait3A_76 = tpu.memref_slice %arg5[%add3A_44, %dma_wait3A_75] : memref<50x128xi32, #tpu.memory_space<vmem>> -> memref<1x128xi32, #tpu.memory_space<vmem>>
      %dma_wait3A_77 = tpu.memref_squeeze %dma_wait3A_76 : memref<1x128xi32, #tpu.memory_space<vmem>> -> memref<128xi32, #tpu.memory_space<vmem>>
      %dma_wait3A_78 = arith.constant 0 : i32
      %dma_wait3A_79 = arith.constant 0 : i32
      %dma_wait3A_80 = tpu.memref_slice %arg3[%dma_wait3A_78, %dma_wait3A_79] : memref<100000x32xf32, #tpu.memory_space<hbm>> -> memref<100000x32xf32, #tpu.memory_space<hbm>>
      tpu.wait_indirect_dma semaphore(%arg10 : memref<!tpu.dma_semaphore, #tpu.memory_space<semaphore_mem>>) src(%dma_wait3A_80 : memref<100000x32xf32, #tpu.memory_space<hbm>>) dst(%arg6 : memref<128x32xf32, #tpu.memory_space<vmem>>)
      %add3A_81 = arith.constant 0 : i32
      %add3A_82 = arith.addi %mul3A_42, %add3A_81 : i32
      %mul3A_83 = arith.constant 128 : i32
      %mul3A_84 = arith.muli %add3A_82, %mul3A_83 : i32
      %add3A_85 = arith.addi %mul3A_2, %mul3A_84 : i32
      %dma_start3A_86 = arith.constant 0 : i32
      %dma_start3A_87 = tpu.memref_slice %arg4[%add3A_85, %dma_start3A_86] : memref<204800x32xf32, #tpu.memory_space<hbm>> -> memref<128x32xf32, #tpu.memory_space<hbm>>
      %dma_start3A_88 = arith.constant 0 : i32
      %dma_start3A_89 = tpu.memref_slice %arg4[%add3A_85, %dma_start3A_88] : memref<204800x32xf32, #tpu.memory_space<hbm>> -> memref<128x32xf32, #tpu.memory_space<hbm>>
      tpu.enqueue_dma source(%arg6 : memref<128x32xf32, #tpu.memory_space<vmem>>) target(%dma_start3A_89 : memref<128x32xf32, #tpu.memory_space<hbm>>) target_semaphore(%arg14 : memref<!tpu.dma_semaphore, #tpu.memory_space<semaphore_mem>>)
      %dma_wait3A_90 = arith.constant 0 : i32
      %dma_wait3A_91 = tpu.memref_slice %arg5[%add3A_52, %dma_wait3A_90] : memref<50x128xi32, #tpu.memory_space<vmem>> -> memref<1x128xi32, #tpu.memory_space<vmem>>
      %dma_wait3A_92 = tpu.memref_squeeze %dma_wait3A_91 : memref<1x128xi32, #tpu.memory_space<vmem>> -> memref<128xi32, #tpu.memory_space<vmem>>
      %dma_wait3A_93 = arith.constant 0 : i32
      %dma_wait3A_94 = arith.constant 0 : i32
      %dma_wait3A_95 = tpu.memref_slice %arg3[%dma_wait3A_93, %dma_wait3A_94] : memref<100000x32xf32, #tpu.memory_space<hbm>> -> memref<100000x32xf32, #tpu.memory_space<hbm>>
      tpu.wait_indirect_dma semaphore(%arg11 : memref<!tpu.dma_semaphore, #tpu.memory_space<semaphore_mem>>) src(%dma_wait3A_95 : memref<100000x32xf32, #tpu.memory_space<hbm>>) dst(%arg7 : memref<128x32xf32, #tpu.memory_space<vmem>>)
      %add3A_96 = arith.constant 1 : i32
      %add3A_97 = arith.addi %mul3A_42, %add3A_96 : i32
      %mul3A_98 = arith.constant 128 : i32
      %mul3A_99 = arith.muli %add3A_97, %mul3A_98 : i32
      %add3A_100 = arith.addi %mul3A_2, %mul3A_99 : i32
      %dma_start3A_101 = arith.constant 0 : i32
      %dma_start3A_102 = tpu.memref_slice %arg4[%add3A_100, %dma_start3A_101] : memref<204800x32xf32, #tpu.memory_space<hbm>> -> memref<128x32xf32, #tpu.memory_space<hbm>>
      %dma_start3A_103 = arith.constant 0 : i32
      %dma_start3A_104 = tpu.memref_slice %arg4[%add3A_100, %dma_start3A_103] : memref<204800x32xf32, #tpu.memory_space<hbm>> -> memref<128x32xf32, #tpu.memory_space<hbm>>
      tpu.enqueue_dma source(%arg7 : memref<128x32xf32, #tpu.memory_space<vmem>>) target(%dma_start3A_104 : memref<128x32xf32, #tpu.memory_space<hbm>>) target_semaphore(%arg15 : memref<!tpu.dma_semaphore, #tpu.memory_space<semaphore_mem>>)
      %dma_wait3A_105 = arith.constant 0 : i32
      %dma_wait3A_106 = tpu.memref_slice %arg5[%add3A_60, %dma_wait3A_105] : memref<50x128xi32, #tpu.memory_space<vmem>> -> memref<1x128xi32, #tpu.memory_space<vmem>>
      %dma_wait3A_107 = tpu.memref_squeeze %dma_wait3A_106 : memref<1x128xi32, #tpu.memory_space<vmem>> -> memref<128xi32, #tpu.memory_space<vmem>>
      %dma_wait3A_108 = arith.constant 0 : i32
      %dma_wait3A_109 = arith.constant 0 : i32
      %dma_wait3A_110 = tpu.memref_slice %arg3[%dma_wait3A_108, %dma_wait3A_109] : memref<100000x32xf32, #tpu.memory_space<hbm>> -> memref<100000x32xf32, #tpu.memory_space<hbm>>
      tpu.wait_indirect_dma semaphore(%arg12 : memref<!tpu.dma_semaphore, #tpu.memory_space<semaphore_mem>>) src(%dma_wait3A_110 : memref<100000x32xf32, #tpu.memory_space<hbm>>) dst(%arg8 : memref<128x32xf32, #tpu.memory_space<vmem>>)
      %add3A_111 = arith.constant 2 : i32
      %add3A_112 = arith.addi %mul3A_42, %add3A_111 : i32
      %mul3A_113 = arith.constant 128 : i32
      %mul3A_114 = arith.muli %add3A_112, %mul3A_113 : i32
      %add3A_115 = arith.addi %mul3A_2, %mul3A_114 : i32
      %dma_start3A_116 = arith.constant 0 : i32
      %dma_start3A_117 = tpu.memref_slice %arg4[%add3A_115, %dma_start3A_116] : memref<204800x32xf32, #tpu.memory_space<hbm>> -> memref<128x32xf32, #tpu.memory_space<hbm>>
      %dma_start3A_118 = arith.constant 0 : i32
      %dma_start3A_119 = tpu.memref_slice %arg4[%add3A_115, %dma_start3A_118] : memref<204800x32xf32, #tpu.memory_space<hbm>> -> memref<128x32xf32, #tpu.memory_space<hbm>>
      tpu.enqueue_dma source(%arg8 : memref<128x32xf32, #tpu.memory_space<vmem>>) target(%dma_start3A_119 : memref<128x32xf32, #tpu.memory_space<hbm>>) target_semaphore(%arg16 : memref<!tpu.dma_semaphore, #tpu.memory_space<semaphore_mem>>)
      %dma_wait3A_120 = arith.constant 0 : i32
      %dma_wait3A_121 = tpu.memref_slice %arg5[%add3A_68, %dma_wait3A_120] : memref<50x128xi32, #tpu.memory_space<vmem>> -> memref<1x128xi32, #tpu.memory_space<vmem>>
      %dma_wait3A_122 = tpu.memref_squeeze %dma_wait3A_121 : memref<1x128xi32, #tpu.memory_space<vmem>> -> memref<128xi32, #tpu.memory_space<vmem>>
      %dma_wait3A_123 = arith.constant 0 : i32
      %dma_wait3A_124 = arith.constant 0 : i32
      %dma_wait3A_125 = tpu.memref_slice %arg3[%dma_wait3A_123, %dma_wait3A_124] : memref<100000x32xf32, #tpu.memory_space<hbm>> -> memref<100000x32xf32, #tpu.memory_space<hbm>>
      tpu.wait_indirect_dma semaphore(%arg13 : memref<!tpu.dma_semaphore, #tpu.memory_space<semaphore_mem>>) src(%dma_wait3A_125 : memref<100000x32xf32, #tpu.memory_space<hbm>>) dst(%arg9 : memref<128x32xf32, #tpu.memory_space<vmem>>)
      %add3A_126 = arith.constant 3 : i32
      %add3A_127 = arith.addi %mul3A_42, %add3A_126 : i32
      %mul3A_128 = arith.constant 128 : i32
      %mul3A_129 = arith.muli %add3A_127, %mul3A_128 : i32
      %add3A_130 = arith.addi %mul3A_2, %mul3A_129 : i32
      %dma_start3A_131 = arith.constant 0 : i32
      %dma_start3A_132 = tpu.memref_slice %arg4[%add3A_130, %dma_start3A_131] : memref<204800x32xf32, #tpu.memory_space<hbm>> -> memref<128x32xf32, #tpu.memory_space<hbm>>
      %dma_start3A_133 = arith.constant 0 : i32
      %dma_start3A_134 = tpu.memref_slice %arg4[%add3A_130, %dma_start3A_133] : memref<204800x32xf32, #tpu.memory_space<hbm>> -> memref<128x32xf32, #tpu.memory_space<hbm>>
      tpu.enqueue_dma source(%arg9 : memref<128x32xf32, #tpu.memory_space<vmem>>) target(%dma_start3A_134 : memref<128x32xf32, #tpu.memory_space<hbm>>) target_semaphore(%arg17 : memref<!tpu.dma_semaphore, #tpu.memory_space<semaphore_mem>>)
      %dma_wait3A_135 = arith.constant 0 : i32
      %dma_wait3A_136 = tpu.memref_slice %arg4[%add3A_85, %dma_wait3A_135] : memref<204800x32xf32, #tpu.memory_space<hbm>> -> memref<128x32xf32, #tpu.memory_space<hbm>>
      %dma_wait3A_137 = arith.constant 0 : i32
      %dma_wait3A_138 = tpu.memref_slice %arg4[%add3A_85, %dma_wait3A_137] : memref<204800x32xf32, #tpu.memory_space<hbm>> -> memref<128x32xf32, #tpu.memory_space<hbm>>
      tpu.wait_dma2 semaphore(%arg14 : memref<!tpu.dma_semaphore, #tpu.memory_space<semaphore_mem>>) src(%arg6 : memref<128x32xf32, #tpu.memory_space<vmem>>) dst(%dma_wait3A_138 : memref<128x32xf32, #tpu.memory_space<hbm>>)
      %dma_wait3A_139 = arith.constant 0 : i32
      %dma_wait3A_140 = tpu.memref_slice %arg4[%add3A_100, %dma_wait3A_139] : memref<204800x32xf32, #tpu.memory_space<hbm>> -> memref<128x32xf32, #tpu.memory_space<hbm>>
      %dma_wait3A_141 = arith.constant 0 : i32
      %dma_wait3A_142 = tpu.memref_slice %arg4[%add3A_100, %dma_wait3A_141] : memref<204800x32xf32, #tpu.memory_space<hbm>> -> memref<128x32xf32, #tpu.memory_space<hbm>>
      tpu.wait_dma2 semaphore(%arg15 : memref<!tpu.dma_semaphore, #tpu.memory_space<semaphore_mem>>) src(%arg7 : memref<128x32xf32, #tpu.memory_space<vmem>>) dst(%dma_wait3A_142 : memref<128x32xf32, #tpu.memory_space<hbm>>)
      %dma_wait3A_143 = arith.constant 0 : i32
      %dma_wait3A_144 = tpu.memref_slice %arg4[%add3A_115, %dma_wait3A_143] : memref<204800x32xf32, #tpu.memory_space<hbm>> -> memref<128x32xf32, #tpu.memory_space<hbm>>
      %dma_wait3A_145 = arith.constant 0 : i32
      %dma_wait3A_146 = tpu.memref_slice %arg4[%add3A_115, %dma_wait3A_145] : memref<204800x32xf32, #tpu.memory_space<hbm>> -> memref<128x32xf32, #tpu.memory_space<hbm>>
      tpu.wait_dma2 semaphore(%arg16 : memref<!tpu.dma_semaphore, #tpu.memory_space<semaphore_mem>>) src(%arg8 : memref<128x32xf32, #tpu.memory_space<vmem>>) dst(%dma_wait3A_146 : memref<128x32xf32, #tpu.memory_space<hbm>>)
      %dma_wait3A_147 = arith.constant 0 : i32
      %dma_wait3A_148 = tpu.memref_slice %arg4[%add3A_130, %dma_wait3A_147] : memref<204800x32xf32, #tpu.memory_space<hbm>> -> memref<128x32xf32, #tpu.memory_space<hbm>>
      %dma_wait3A_149 = arith.constant 0 : i32
      %dma_wait3A_150 = tpu.memref_slice %arg4[%add3A_130, %dma_wait3A_149] : memref<204800x32xf32, #tpu.memory_space<hbm>> -> memref<128x32xf32, #tpu.memory_space<hbm>>
      tpu.wait_dma2 semaphore(%arg17 : memref<!tpu.dma_semaphore, #tpu.memory_space<semaphore_mem>>) src(%arg9 : memref<128x32xf32, #tpu.memory_space<vmem>>) dst(%dma_wait3A_150 : memref<128x32xf32, #tpu.memory_space<hbm>>)
    }
    %scan3A_9 = arith.constant 12 : i32
    %dma_start3A = arith.constant 48 : i32
    %dma_start3A_10 = arith.constant 0 : i32
    %dma_start3A_11 = tpu.memref_slice %arg5[%dma_start3A, %dma_start3A_10] : memref<50x128xi32, #tpu.memory_space<vmem>> -> memref<1x128xi32, #tpu.memory_space<vmem>>
    %dma_start3A_12 = tpu.memref_squeeze %dma_start3A_11 : memref<1x128xi32, #tpu.memory_space<vmem>> -> memref<128xi32, #tpu.memory_space<vmem>>
    %dma_start3A_13 = arith.constant 0 : i32
    %dma_start3A_14 = arith.constant 0 : i32
    %dma_start3A_15 = tpu.memref_slice %arg3[%dma_start3A_13, %dma_start3A_14] : memref<100000x32xf32, #tpu.memory_space<hbm>> -> memref<100000x32xf32, #tpu.memory_space<hbm>>
    tpu.enqueue_indirect_dma source(%dma_start3A_15 : memref<100000x32xf32, #tpu.memory_space<hbm>>) target(%arg6 : memref<128x32xf32, #tpu.memory_space<vmem>>) offsets(%dma_start3A_12 : memref<128xi32, #tpu.memory_space<vmem>>) semaphore(%arg10 : memref<!tpu.dma_semaphore, #tpu.memory_space<semaphore_mem>>)
    %dma_wait3A = arith.constant 48 : i32
    %dma_wait3A_16 = arith.constant 0 : i32
    %dma_wait3A_17 = tpu.memref_slice %arg5[%dma_wait3A, %dma_wait3A_16] : memref<50x128xi32, #tpu.memory_space<vmem>> -> memref<1x128xi32, #tpu.memory_space<vmem>>
    %dma_wait3A_18 = tpu.memref_squeeze %dma_wait3A_17 : memref<1x128xi32, #tpu.memory_space<vmem>> -> memref<128xi32, #tpu.memory_space<vmem>>
    %dma_wait3A_19 = arith.constant 0 : i32
    %dma_wait3A_20 = arith.constant 0 : i32
    %dma_wait3A_21 = tpu.memref_slice %arg3[%dma_wait3A_19, %dma_wait3A_20] : memref<100000x32xf32, #tpu.memory_space<hbm>> -> memref<100000x32xf32, #tpu.memory_space<hbm>>
    tpu.wait_indirect_dma semaphore(%arg10 : memref<!tpu.dma_semaphore, #tpu.memory_space<semaphore_mem>>) src(%dma_wait3A_21 : memref<100000x32xf32, #tpu.memory_space<hbm>>) dst(%arg6 : memref<128x32xf32, #tpu.memory_space<vmem>>)
    %add3A_22 = arith.constant 6144 : i32
    %add3A_23 = arith.addi %mul3A_2, %add3A_22 : i32
    "tpu.region"() ({
      %run_scoped3A = tpu.sem_alloc : memref<!tpu.dma_semaphore, #tpu.memory_space<semaphore_mem>>
      %dma_start3A_40 = arith.constant 0 : i32
      %dma_start3A_41 = tpu.memref_slice %arg4[%add3A_23, %dma_start3A_40] : memref<204800x32xf32, #tpu.memory_space<hbm>> -> memref<128x32xf32, #tpu.memory_space<hbm>>
      %dma_start3A_42 = arith.constant 0 : i32
      %dma_start3A_43 = tpu.memref_slice %arg4[%add3A_23, %dma_start3A_42] : memref<204800x32xf32, #tpu.memory_space<hbm>> -> memref<128x32xf32, #tpu.memory_space<hbm>>
      tpu.enqueue_dma source(%arg6 : memref<128x32xf32, #tpu.memory_space<vmem>>) target(%dma_start3A_43 : memref<128x32xf32, #tpu.memory_space<hbm>>) target_semaphore(%run_scoped3A : memref<!tpu.dma_semaphore, #tpu.memory_space<semaphore_mem>>)
      %dma_wait3A_44 = arith.constant 0 : i32
      %dma_wait3A_45 = tpu.memref_slice %arg4[%add3A_23, %dma_wait3A_44] : memref<204800x32xf32, #tpu.memory_space<hbm>> -> memref<128x32xf32, #tpu.memory_space<hbm>>
      %dma_wait3A_46 = arith.constant 0 : i32
      %dma_wait3A_47 = tpu.memref_slice %arg4[%add3A_23, %dma_wait3A_46] : memref<204800x32xf32, #tpu.memory_space<hbm>> -> memref<128x32xf32, #tpu.memory_space<hbm>>
      tpu.wait_dma2 semaphore(%run_scoped3A : memref<!tpu.dma_semaphore, #tpu.memory_space<semaphore_mem>>) src(%arg6 : memref<128x32xf32, #tpu.memory_space<vmem>>) dst(%dma_wait3A_47 : memref<128x32xf32, #tpu.memory_space<hbm>>)
      tpu.yield
    }) : () -> ()
    %dma_start3A_24 = arith.constant 49 : i32
    %dma_start3A_25 = arith.constant 0 : i32
    %dma_start3A_26 = tpu.memref_slice %arg5[%dma_start3A_24, %dma_start3A_25] : memref<50x128xi32, #tpu.memory_space<vmem>> -> memref<1x128xi32, #tpu.memory_space<vmem>>
    %dma_start3A_27 = tpu.memref_squeeze %dma_start3A_26 : memref<1x128xi32, #tpu.memory_space<vmem>> -> memref<128xi32, #tpu.memory_space<vmem>>
    %dma_start3A_28 = arith.constant 0 : i32
    %dma_start3A_29 = arith.constant 0 : i32
    %dma_start3A_30 = tpu.memref_slice %arg3[%dma_start3A_28, %dma_start3A_29] : memref<100000x32xf32, #tpu.memory_space<hbm>> -> memref<100000x32xf32, #tpu.memory_space<hbm>>
    tpu.enqueue_indirect_dma source(%dma_start3A_30 : memref<100000x32xf32, #tpu.memory_space<hbm>>) target(%arg7 : memref<128x32xf32, #tpu.memory_space<vmem>>) offsets(%dma_start3A_27 : memref<128xi32, #tpu.memory_space<vmem>>) semaphore(%arg11 : memref<!tpu.dma_semaphore, #tpu.memory_space<semaphore_mem>>)
    %dma_wait3A_31 = arith.constant 49 : i32
    %dma_wait3A_32 = arith.constant 0 : i32
    %dma_wait3A_33 = tpu.memref_slice %arg5[%dma_wait3A_31, %dma_wait3A_32] : memref<50x128xi32, #tpu.memory_space<vmem>> -> memref<1x128xi32, #tpu.memory_space<vmem>>
    %dma_wait3A_34 = tpu.memref_squeeze %dma_wait3A_33 : memref<1x128xi32, #tpu.memory_space<vmem>> -> memref<128xi32, #tpu.memory_space<vmem>>
    %dma_wait3A_35 = arith.constant 0 : i32
    %dma_wait3A_36 = arith.constant 0 : i32
    %dma_wait3A_37 = tpu.memref_slice %arg3[%dma_wait3A_35, %dma_wait3A_36] : memref<100000x32xf32, #tpu.memory_space<hbm>> -> memref<100000x32xf32, #tpu.memory_space<hbm>>
    tpu.wait_indirect_dma semaphore(%arg11 : memref<!tpu.dma_semaphore, #tpu.memory_space<semaphore_mem>>) src(%dma_wait3A_37 : memref<100000x32xf32, #tpu.memory_space<hbm>>) dst(%arg7 : memref<128x32xf32, #tpu.memory_space<vmem>>)
    %add3A_38 = arith.constant 6272 : i32
    %add3A_39 = arith.addi %mul3A_2, %add3A_38 : i32
    "tpu.region"() ({
      %run_scoped3A = tpu.sem_alloc : memref<!tpu.dma_semaphore, #tpu.memory_space<semaphore_mem>>
      %dma_start3A_40 = arith.constant 0 : i32
      %dma_start3A_41 = tpu.memref_slice %arg4[%add3A_39, %dma_start3A_40] : memref<204800x32xf32, #tpu.memory_space<hbm>> -> memref<128x32xf32, #tpu.memory_space<hbm>>
      %dma_start3A_42 = arith.constant 0 : i32
      %dma_start3A_43 = tpu.memref_slice %arg4[%add3A_39, %dma_start3A_42] : memref<204800x32xf32, #tpu.memory_space<hbm>> -> memref<128x32xf32, #tpu.memory_space<hbm>>
      tpu.enqueue_dma source(%arg7 : memref<128x32xf32, #tpu.memory_space<vmem>>) target(%dma_start3A_43 : memref<128x32xf32, #tpu.memory_space<hbm>>) target_semaphore(%run_scoped3A : memref<!tpu.dma_semaphore, #tpu.memory_space<semaphore_mem>>)
      %dma_wait3A_44 = arith.constant 0 : i32
      %dma_wait3A_45 = tpu.memref_slice %arg4[%add3A_39, %dma_wait3A_44] : memref<204800x32xf32, #tpu.memory_space<hbm>> -> memref<128x32xf32, #tpu.memory_space<hbm>>
      %dma_wait3A_46 = arith.constant 0 : i32
      %dma_wait3A_47 = tpu.memref_slice %arg4[%add3A_39, %dma_wait3A_46] : memref<204800x32xf32, #tpu.memory_space<hbm>> -> memref<128x32xf32, #tpu.memory_space<hbm>>
      tpu.wait_dma2 semaphore(%run_scoped3A : memref<!tpu.dma_semaphore, #tpu.memory_space<semaphore_mem>>) src(%arg7 : memref<128x32xf32, #tpu.memory_space<vmem>>) dst(%dma_wait3A_47 : memref<128x32xf32, #tpu.memory_space<hbm>>)
      tpu.yield
    }) : () -> ()
    return
  }
}

module attributes {stable_mosaic.version = 14 : i64} {
  func.func @_tc_body(%arg0: i32, %arg1: memref<3200x128xf32, #tpu.memory_space<vmem>>, %arg2: memref<3200x128xf32, #tpu.memory_space<vmem>>, %arg3: memref<64x32xf32, #tpu.memory_space<vmem>>, %arg4: memref<128x128xf32, #tpu.memory_space<vmem>>, %arg5: memref<32x128xf32, #tpu.memory_space<vmem>>, %arg6: memref<128x128xf32, #tpu.memory_space<vmem>>, %arg7: memref<1x128xf32, #tpu.memory_space<vmem>>, %arg8: memref<128x128xf32, #tpu.memory_space<vmem>>, %arg9: memref<1x128xf32, #tpu.memory_space<vmem>>, %arg10: memref<128x128xf32, #tpu.memory_space<vmem>>, %arg11: memref<3200x64xf32, #tpu.memory_space<vmem>>, %arg12: memref<64x3200xf32, #tpu.memory_space<vmem>>, %arg13: memref<64x32xf32, #tpu.memory_space<vmem>>) attributes {dimension_semantics = [#tpu.dimension_semantics<parallel>], iteration_bounds = array<i64: 16>, scalar_prefetch = 0 : i64, scratch_operands = 0 : i64, tpu.core_type = #tpu.core_type<tc>, window_params = [{transform_indices = @transform_0, window_bounds = array<i64: 3200, 128>}, {transform_indices = @transform_1, window_bounds = array<i64: 3200, 128>}, {transform_indices = @transform_2, window_bounds = array<i64: 64, 32>}, {pipeline_mode = #tpu.pipeline_mode<synchronous>, transform_indices = @transform_3, window_bounds = array<i64: 128, 128>}, {pipeline_mode = #tpu.pipeline_mode<synchronous>, transform_indices = @transform_4, window_bounds = array<i64: 32, 128>}, {pipeline_mode = #tpu.pipeline_mode<synchronous>, transform_indices = @transform_5, window_bounds = array<i64: 128, 128>}, {pipeline_mode = #tpu.pipeline_mode<synchronous>, transform_indices = @transform_6, window_bounds = array<i64: 1, 128>}, {pipeline_mode = #tpu.pipeline_mode<synchronous>, transform_indices = @transform_7, window_bounds = array<i64: 128, 128>}, {pipeline_mode = #tpu.pipeline_mode<synchronous>, transform_indices = @transform_8, window_bounds = array<i64: 1, 128>}, {pipeline_mode = #tpu.pipeline_mode<synchronous>, transform_indices = @transform_9, window_bounds = array<i64: 128, 128>}, {pipeline_mode = #tpu.pipeline_mode<synchronous>, transform_indices = @transform_10, window_bounds = array<i64: 3200, 64>}, {pipeline_mode = #tpu.pipeline_mode<synchronous>, transform_indices = @transform_11, window_bounds = array<i64: 64, 3200>}, {transform_indices = @transform_12, window_bounds = array<i64: 64, 32>}]} {
    %get3A = arith.constant 0 : index
    %get3A_0 = arith.constant 0 : index
    %get3A_1 = vector.load %arg1[%get3A, %get3A_0] : memref<3200x128xf32, #tpu.memory_space<vmem>>, vector<3200x128xf32>
    %get3A_2 = arith.constant 0 : index
    %get3A_3 = arith.constant 0 : index
    %get3A_4 = vector.load %arg2[%get3A_2, %get3A_3] : memref<3200x128xf32, #tpu.memory_space<vmem>>, vector<3200x128xf32>
    %get3A_5 = arith.constant 0 : index
    %get3A_6 = arith.constant 0 : index
    %get3A_7 = vector.load %arg4[%get3A_5, %get3A_6] : memref<128x128xf32, #tpu.memory_space<vmem>>, vector<128x128xf32>
    %dot_general3A = arith.constant dense<0.000000e+00> : vector<3200x128xf32>
    %dot_general3A_8 = tpu.matmul %get3A_1, %get3A_7, %dot_general3A {dimension_numbers = #tpu.dot_dimension_numbers<[1], [0], [0], [1], [0, 0, 1, 1], [], []>, transpose_lhs_hint = false} : vector<3200x128xf32>, vector<128x128xf32>, vector<3200x128xf32> -> vector<3200x128xf32>
    %get3A_9 = arith.constant 0 : index
    %get3A_10 = arith.constant 0 : index
    %get3A_11 = vector.load %arg6[%get3A_9, %get3A_10] : memref<128x128xf32, #tpu.memory_space<vmem>>, vector<128x128xf32>
    %dot_general3A_12 = arith.constant dense<0.000000e+00> : vector<3200x128xf32>
    %dot_general3A_13 = tpu.matmul %get3A_4, %get3A_11, %dot_general3A_12 {dimension_numbers = #tpu.dot_dimension_numbers<[1], [0], [0], [1], [0, 0, 1, 1], [], []>, transpose_lhs_hint = false} : vector<3200x128xf32>, vector<128x128xf32>, vector<3200x128xf32> -> vector<3200x128xf32>
    %add3A = arith.addf %dot_general3A_8, %dot_general3A_13 : vector<3200x128xf32>
    %get3A_14 = arith.constant 0 : index
    %get3A_15 = arith.constant 0 : index
    %get3A_16 = vector.load %arg3[%get3A_14, %get3A_15] : memref<64x32xf32, #tpu.memory_space<vmem>>, vector<64x32xf32>
    %get3A_17 = arith.constant 0 : index
    %get3A_18 = arith.constant 0 : index
    %get3A_19 = vector.load %arg5[%get3A_17, %get3A_18] : memref<32x128xf32, #tpu.memory_space<vmem>>, vector<32x128xf32>
    %dot_general3A_20 = arith.constant dense<0.000000e+00> : vector<64x128xf32>
    %dot_general3A_21 = tpu.matmul %get3A_16, %get3A_19, %dot_general3A_20 {dimension_numbers = #tpu.dot_dimension_numbers<[1], [0], [0], [1], [0, 0, 1, 1], [], []>, transpose_lhs_hint = false} : vector<64x32xf32>, vector<32x128xf32>, vector<64x128xf32> -> vector<64x128xf32>
    %get3A_22 = arith.constant 0 : index
    %get3A_23 = arith.constant 0 : index
    %get3A_24 = vector.load %arg7[%get3A_22, %get3A_23] : memref<1x128xf32, #tpu.memory_space<vmem>>, vector<1x128xf32>
    %add3A_25 = vector.broadcast %get3A_24 : vector<1x128xf32> to vector<64x128xf32>
    %add3A_26 = arith.addf %dot_general3A_21, %add3A_25 : vector<64x128xf32>
    %get3A_27 = arith.constant 0 : index
    %get3A_28 = arith.constant 0 : index
    %get3A_29 = vector.load %arg11[%get3A_27, %get3A_28] : memref<3200x64xf32, #tpu.memory_space<vmem>>, vector<3200x64xf32>
    %dot_general3A_30 = arith.constant dense<0.000000e+00> : vector<3200x128xf32>
    %dot_general3A_31 = tpu.matmul %get3A_29, %add3A_26, %dot_general3A_30 {dimension_numbers = #tpu.dot_dimension_numbers<[1], [0], [0], [1], [0, 0, 1, 1], [], []>, transpose_lhs_hint = false} : vector<3200x64xf32>, vector<64x128xf32>, vector<3200x128xf32> -> vector<3200x128xf32>
    %add3A_32 = arith.addf %add3A, %dot_general3A_31 : vector<3200x128xf32>
    %max3A = arith.constant 0.000000e+00 : f32
    %max3A_33 = vector.broadcast %max3A : f32 to vector<3200x128xf32>
    %max3A_34 = arith.maximumf %add3A_32, %max3A_33 : vector<3200x128xf32>
    %get3A_35 = arith.constant 0 : index
    %get3A_36 = arith.constant 0 : index
    %get3A_37 = vector.load %arg8[%get3A_35, %get3A_36] : memref<128x128xf32, #tpu.memory_space<vmem>>, vector<128x128xf32>
    %dot_general3A_38 = arith.constant dense<0.000000e+00> : vector<3200x128xf32>
    %dot_general3A_39 = tpu.matmul %max3A_34, %get3A_37, %dot_general3A_38 {dimension_numbers = #tpu.dot_dimension_numbers<[1], [0], [0], [1], [0, 0, 1, 1], [], []>, transpose_lhs_hint = false} : vector<3200x128xf32>, vector<128x128xf32>, vector<3200x128xf32> -> vector<3200x128xf32>
    %get3A_40 = arith.constant 0 : index
    %get3A_41 = arith.constant 0 : index
    %get3A_42 = vector.load %arg9[%get3A_40, %get3A_41] : memref<1x128xf32, #tpu.memory_space<vmem>>, vector<1x128xf32>
    %add3A_43 = vector.broadcast %get3A_42 : vector<1x128xf32> to vector<3200x128xf32>
    %add3A_44 = arith.addf %dot_general3A_39, %add3A_43 : vector<3200x128xf32>
    %max3A_45 = arith.constant 0.000000e+00 : f32
    %max3A_46 = vector.broadcast %max3A_45 : f32 to vector<3200x128xf32>
    %max3A_47 = arith.maximumf %add3A_44, %max3A_46 : vector<3200x128xf32>
    %get3A_48 = arith.constant 0 : index
    %get3A_49 = arith.constant 0 : index
    %get3A_50 = vector.load %arg10[%get3A_48, %get3A_49] : memref<128x128xf32, #tpu.memory_space<vmem>>, vector<128x128xf32>
    %dot_general3A_51 = arith.constant dense<0.000000e+00> : vector<3200x128xf32>
    %dot_general3A_52 = tpu.matmul %max3A_47, %get3A_50, %dot_general3A_51 {dimension_numbers = #tpu.dot_dimension_numbers<[1], [0], [0], [1], [0, 0, 1, 1], [], []>, transpose_lhs_hint = false} : vector<3200x128xf32>, vector<128x128xf32>, vector<3200x128xf32> -> vector<3200x128xf32>
    %exp3A = math.exp %dot_general3A_52 : vector<3200x128xf32>
    %get3A_53 = arith.constant 0 : index
    %get3A_54 = arith.constant 0 : index
    %get3A_55 = vector.load %arg12[%get3A_53, %get3A_54] : memref<64x3200xf32, #tpu.memory_space<vmem>>, vector<64x3200xf32>
    %dot_general3A_56 = arith.constant dense<0.000000e+00> : vector<64x128xf32>
    %dot_general3A_57 = tpu.matmul %get3A_55, %exp3A, %dot_general3A_56 {dimension_numbers = #tpu.dot_dimension_numbers<[1], [0], [0], [1], [0, 0, 1, 1], [], []>, transpose_lhs_hint = false} : vector<64x3200xf32>, vector<3200x128xf32>, vector<64x128xf32> -> vector<64x128xf32>
    %reduce_sum3A = arith.constant dense<0.000000e+00> : vector<64xf32>
    %reduce_sum3A_58 = vector.multi_reduction <add>, %dot_general3A_57, %reduce_sum3A [1] : vector<64x128xf32> to vector<64xf32>
    %broadcast_in_dim3A = vector.shape_cast %reduce_sum3A_58 : vector<64xf32> to vector<64x1xf32>
    %mul3A = arith.constant 3.125000e-02 : f32
    %mul3A_59 = vector.broadcast %mul3A : f32 to vector<64x1xf32>
    %mul3A_60 = arith.mulf %broadcast_in_dim3A, %mul3A_59 : vector<64x1xf32>
    %get3A_61 = arith.constant 0 : index
    %get3A_62 = arith.constant 0 : index
    %get3A_63 = vector.load %arg12[%get3A_61, %get3A_62] : memref<64x3200xf32, #tpu.memory_space<vmem>>, vector<64x3200xf32>
    %mul3A_64 = arith.mulf %get3A_1, %exp3A : vector<3200x128xf32>
    %dot_general3A_65 = arith.constant dense<0.000000e+00> : vector<64x128xf32>
    %dot_general3A_66 = tpu.matmul %get3A_63, %mul3A_64, %dot_general3A_65 {dimension_numbers = #tpu.dot_dimension_numbers<[1], [0], [0], [1], [0, 0, 1, 1], [], []>, transpose_lhs_hint = false} : vector<64x3200xf32>, vector<3200x128xf32>, vector<64x128xf32> -> vector<64x128xf32>
    %div3A = arith.constant 1.000000e+00 : f32
    %div3A_67 = vector.broadcast %div3A : f32 to vector<64x1xf32>
    %div3A_68 = arith.divf %div3A_67, %mul3A_60 : vector<64x1xf32>
    %mul3A_69 = vector.broadcast %div3A_68 : vector<64x1xf32> to vector<64x128xf32>
    %mul3A_70 = arith.mulf %dot_general3A_66, %mul3A_69 : vector<64x128xf32>
    %slice3A = vector.extract_strided_slice %mul3A_70 {offsets = [0, 0], sizes = [64, 32], strides = [1, 1]} : vector<64x128xf32> to vector<64x32xf32>
    %slice3A_71 = vector.extract_strided_slice %mul3A_70 {offsets = [0, 32], sizes = [64, 32], strides = [1, 1]} : vector<64x128xf32> to vector<64x32xf32>
    %add3A_72 = arith.addf %slice3A, %slice3A_71 : vector<64x32xf32>
    %slice3A_73 = vector.extract_strided_slice %mul3A_70 {offsets = [0, 64], sizes = [64, 32], strides = [1, 1]} : vector<64x128xf32> to vector<64x32xf32>
    %add3A_74 = arith.addf %add3A_72, %slice3A_73 : vector<64x32xf32>
    %slice3A_75 = vector.extract_strided_slice %mul3A_70 {offsets = [0, 96], sizes = [64, 32], strides = [1, 1]} : vector<64x128xf32> to vector<64x32xf32>
    %add3A_76 = arith.addf %add3A_74, %slice3A_75 : vector<64x32xf32>
    %swap3A = arith.constant 0 : index
    %swap3A_77 = arith.constant 0 : index
    %swap3A_78 = vector.load %arg13[%swap3A, %swap3A_77] : memref<64x32xf32, #tpu.memory_space<vmem>>, vector<64x32xf32>
    tpu.vector_store %arg13[%swap3A, %swap3A_77], %add3A_76 {strides = array<i32>} : memref<64x32xf32, #tpu.memory_space<vmem>>, vector<64x32xf32>,
    return
  }
  func.func @transform_0(%arg0: i32) -> (i32, i32) {
    %c0_i32 = arith.constant 0 : i32
    %c0_i32_0 = arith.constant 0 : i32
    return %arg0, %c0_i32 : i32, i32
  }
  func.func @transform_1(%arg0: i32) -> (i32, i32) {
    %c0_i32 = arith.constant 0 : i32
    %c0_i32_0 = arith.constant 0 : i32
    return %arg0, %c0_i32 : i32, i32
  }
  func.func @transform_2(%arg0: i32) -> (i32, i32) {
    %c0_i32 = arith.constant 0 : i32
    %c0_i32_0 = arith.constant 0 : i32
    return %arg0, %c0_i32 : i32, i32
  }
  func.func @transform_3(%arg0: i32) -> (i32, i32) {
    %c0_i32 = arith.constant 0 : i32
    %c0_i32_0 = arith.constant 0 : i32
    %c0_i32_1 = arith.constant 0 : i32
    return %c0_i32, %c0_i32_0 : i32, i32
  }
  func.func @transform_4(%arg0: i32) -> (i32, i32) {
    %c0_i32 = arith.constant 0 : i32
    %c0_i32_0 = arith.constant 0 : i32
    %c0_i32_1 = arith.constant 0 : i32
    return %c0_i32, %c0_i32_0 : i32, i32
  }
  func.func @transform_5(%arg0: i32) -> (i32, i32) {
    %c0_i32 = arith.constant 0 : i32
    %c0_i32_0 = arith.constant 0 : i32
    %c0_i32_1 = arith.constant 0 : i32
    return %c0_i32, %c0_i32_0 : i32, i32
  }
  func.func @transform_6(%arg0: i32) -> (i32, i32) {
    %c0_i32 = arith.constant 0 : i32
    %c0_i32_0 = arith.constant 0 : i32
    %c0_i32_1 = arith.constant 0 : i32
    return %c0_i32, %c0_i32_0 : i32, i32
  }
  func.func @transform_7(%arg0: i32) -> (i32, i32) {
    %c0_i32 = arith.constant 0 : i32
    %c0_i32_0 = arith.constant 0 : i32
    %c0_i32_1 = arith.constant 0 : i32
    return %c0_i32, %c0_i32_0 : i32, i32
  }
  func.func @transform_8(%arg0: i32) -> (i32, i32) {
    %c0_i32 = arith.constant 0 : i32
    %c0_i32_0 = arith.constant 0 : i32
    %c0_i32_1 = arith.constant 0 : i32
    return %c0_i32, %c0_i32_0 : i32, i32
  }
  func.func @transform_9(%arg0: i32) -> (i32, i32) {
    %c0_i32 = arith.constant 0 : i32
    %c0_i32_0 = arith.constant 0 : i32
    %c0_i32_1 = arith.constant 0 : i32
    return %c0_i32, %c0_i32_0 : i32, i32
  }
  func.func @transform_10(%arg0: i32) -> (i32, i32) {
    %c0_i32 = arith.constant 0 : i32
    %c0_i32_0 = arith.constant 0 : i32
    %c0_i32_1 = arith.constant 0 : i32
    return %c0_i32, %c0_i32_0 : i32, i32
  }
  func.func @transform_11(%arg0: i32) -> (i32, i32) {
    %c0_i32 = arith.constant 0 : i32
    %c0_i32_0 = arith.constant 0 : i32
    %c0_i32_1 = arith.constant 0 : i32
    return %c0_i32, %c0_i32_0 : i32, i32
  }
  func.func @transform_12(%arg0: i32) -> (i32, i32) {
    %c0_i32 = arith.constant 0 : i32
    %c0_i32_0 = arith.constant 0 : i32
    return %arg0, %c0_i32 : i32, i32
  }
}

</mosaic_0001>

<sc_bundles>
// kernel: kernel.12.cloned.1.call-start
scs
__scs_entry_jumppad:
0x0: {  	(pc) =	sbr.rel $0x88, $3  }
0x1: {  	(tag) =	ssettag $0x0;
	lr =	simm.s32 $0x1  }
0x2: {  	[smem:$0x3F96] =	sst lr;
	_ =	strace $0xD0000000  }
0x3: {  	_ = 	snop  }
0x4: {  	_ = 	snop  }
0x5: {  	_ = 	snop  }
0x6: {  	_ = 	snop  }
0x7: {  	_ = 	snop  }
__scs_overlays_trampoline_lowered:
0x8: {  	[smem:$0x3FA5] =	sst s0  }
0x9: {  	[smem:$0x3FA6] =	sst s1  }
0xa: {  	[smem:$0x3FA7] =	sst s2  }
0xb: {  	[smem:$0x3FA8] =	sst s3  }
0xc: {  	[smem:$0x3FA9] =	sst s4  }
0xd: {  	[smem:$0x3FAA] =	sst s5  }
0xe: {  	[smem:$0x3FAB] =	sst s6  }
0xf: {  	[smem:$0x3FAC] =	sst s7  }
0x10: {  	[smem:$0x3FAD] =	sst s8  }
0x11: {  	[smem:$0x3FAE] =	sst s9;
	s0 =	simm.s32 @!p0 $0x0  }
0x12: {  	s1 =	sld [smem:$0x3F94];
	s0 =	simm.s32 @p0 $0x1  }
0x13: {  	[smem:$0x3FAF] =	sst s0;
	s0 =	simm.s32 @!p1 $0x0  }
0x14: {  	s2 =	sld [smem:$0x3F93];
	s0 =	simm.s32 @p1 $0x1  }
0x15: {  	[smem:$0x3FB0] =	sst s0;
	s0 =	simm.s32 @!p2 $0x0  }
0x16: {  	s3 =	sld [smem:$0x3FDB];
	s0 =	simm.s32 @p2 $0x1  }
0x17: {  	s4 =	simm.s32 $0x1BF5;
	[smem:$0x3FB2] =	sst s0  }
0x18: {  	s0 =	sld [smem:$0x3F95];
	_ =	swait.ge [sflag:s4], $0x0  }
0x19: {  	s7 =	sld [smem:$0x3F96]  }
0x1a: {  	s8 =	sadd.s32 $0xFFFFE003, lr  }
0x1b: {  	s9 =	sadd.s32 $0xFFFFFEF7, lr;
	s5 =	simm.s32 $0xFFFFFFFF;
	p2 =	slt.u32 s8, $0xFFFFF086  }
0x1c: {  	p1 =	slt.u32 s9, $0xF7A;
	s5 =	simm.s32 @!p2 $0x0  }
0x1d: {  	s5 =	simm.s32 @p1 $0x1;
	p0 =	seq.s32 s7, s2  }
0x1e: {  	s7 =	smul.u32 @!p0 $0xF7A, s2;
	p2 =	seq.s32 @!p0 s5, $0x0  }
0x1f: {  	s9 =	smul.u32 $0xF7A, s1;
	s8 =	simm.s32 @!p0 $0x1BF5;
	p2 =	por !p2, p0  }
0x20: {  	[sflag:s8] =	ssyncset.s32 @!p0 $0xFFFFF086;
	s6 =	sadd.s32 @!p0 s3, s7;
	s7 =	simm.s32 @!p0 $0x108  }
0x21: {  	s3 =	sadd.s32 s3, s9;
	s6 =	sadd.s32 @!p0 $0x88, s6;
	s7 =	simm.s32 @p2 $0x1082  }
0x22: {  	[simem:s7], [sflag:s8] =	dma.local @!p0 [hbm:s6], $0xF7A  }
0x23: {  	s9 =	sor.u32 $0xD0000000, s2;
	s6 =	simm.s32 $0x108;
	_ =	swait.ge @!p0 [sflag:s8], $0x0  }
0x24: {  	s3 =	sadd.s32 $0x88, s3;
	s6 =	simm.s32 @!p1 $0x1082;
	[sflag:s4] =	ssyncset.s32 $0xFFFFF086  }
0x25: {  	[simem:s6], [sflag:s4] =	dma.local [hbm:s3], $0xF7A  }
0x26: {  	[smem:$0x3F96] =	sst s1;
	(tag) =	ssettag s2;
	_ =	strace s9  }
0x27: {  	s1 =	sld [smem:$0x3FA6]  }
0x28: {  	s2 =	sld [smem:$0x3FA7]  }
0x29: {  	s4 =	sld [smem:$0x3FA9]  }
0x2a: {  	p0 =	seq.s32 s5, $0x0;
	s5 =	sld [smem:$0x3FAA]  }
0x2b: {  	s6 =	sld [smem:$0x3FAB]  }
0x2c: {  	s7 =	sld [smem:$0x3FAC]  }
0x2d: {  	s3 =	simm.s32 $0x108;
	s8 =	sld [smem:$0x3FAD]  }
0x2e: {  	s3 =	simm.s32 @!p0 $0x1082;
	s9 =	sld [smem:$0x3FAE]  }
0x2f: {  	lr =	sadd.s32 s0, s3;
	s0 =	sld [smem:$0x3FA5]  }
0x30: {  	s3 =	sld [smem:$0x3FA8]  }
0x31: {  	[smem:$0x3FB1] =	sst s10  }
0x32: {  	s10 =	sld [smem:$0x3FAF];
	_ =	sdelay $0x3  }
0x33: {  	p0 =	seq.s32 s10, $0x1;
	s10 =	sld [smem:$0x3FB1];
	_ =	sdelay $0x3  }
0x34: {  	[smem:$0x3FB1] =	sst s10  }
0x35: {  	s10 =	sld [smem:$0x3FB0];
	_ =	sdelay $0x3  }
0x36: {  	p1 =	seq.s32 s10, $0x1;
	s10 =	sld [smem:$0x3FB1];
	_ =	sdelay $0x3  }
0x37: {  	[smem:$0x3FB1] =	sst s10  }
0x38: {  	s10 =	sld [smem:$0x3FB2]  }
0x39: {  	_ = 	snop;
	(pc) =	sbr.ind lr, $3  }
0x3a: {  	_ = 	snop  }
0x3b: {  	_ = 	snop  }
0x3c: {  	p2 =	seq.s32 s10, $0x1;
	s10 =	sld [smem:$0x3FB1]  }
0x3d: {  	_ =	shalt  }
0x3e: {  	_ =	shalt  }
0x3f: {  	_ =	shalt  }
0x40: {  	_ =	shalt  }
0x41: {  	_ =	shalt  }
0x42: {  	_ =	shalt  }
0x43: {  	_ =	shalt  }
0x44: {  	_ =	shalt  }
0x45: {  	_ =	shalt  }
0x46: {  	_ =	shalt  }
0x47: {  	_ =	shalt  }
0x48: {  	_ =	shalt  }
0x49: {  	_ =	shalt  }
0x4a: {  	_ =	shalt  }
0x4b: {  	_ =	shalt  }
0x4c: {  	_ =	shalt  }
0x4d: {  	_ =	shalt  }
0x4e: {  	_ =	shalt  }
0x4f: {  	_ =	shalt  }
0x50: {  	_ =	shalt  }
0x51: {  	_ =	shalt  }
0x52: {  	_ =	shalt  }
0x53: {  	_ =	shalt  }
0x54: {  	_ =	shalt  }
0x55: {  	_ =	shalt  }
0x56: {  	_ =	shalt  }
0x57: {  	_ =	shalt  }
0x58: {  	_ =	shalt  }
0x59: {  	_ =	shalt  }
0x5a: {  	_ =	shalt  }
0x5b: {  	_ =	shalt  }
0x5c: {  	_ =	shalt  }
0x5d: {  	_ =	shalt  }
0x5e: {  	_ =	shalt  }
0x5f: {  	_ =	shalt  }
0x60: {  	_ =	shalt  }
0x61: {  	_ =	shalt  }
0x62: {  	_ =	shalt  }
0x63: {  	_ =	shalt  }
0x64: {  	_ =	shalt  }
0x65: {  	_ =	shalt  }
0x66: {  	_ =	shalt  }
0x67: {  	_ =	shalt  }
0x68: {  	_ =	shalt  }
0x69: {  	_ =	shalt  }
0x6a: {  	_ =	shalt  }
0x6b: {  	_ =	shalt  }
0x6c: {  	_ =	shalt  }
0x6d: {  	_ =	shalt  }
0x6e: {  	_ =	shalt  }
0x6f: {  	_ =	shalt  }
0x70: {  	_ =	shalt  }
0x71: {  	_ =	shalt  }
0x72: {  	_ =	shalt  }
0x73: {  	_ =	shalt  }
0x74: {  	_ =	shalt  }
0x75: {  	_ =	shalt  }
0x76: {  	_ =	shalt  }
0x77: {  	_ =	shalt  }
0x78: {  	_ =	shalt  }
0x79: {  	_ =	shalt  }
0x7a: {  	_ =	shalt  }
0x7b: {  	_ =	shalt  }
0x7c: {  	_ =	shalt  }
0x7d: {  	_ =	shalt  }
0x7e: {  	_ =	shalt  }
0x7f: {  	_ =	shalt  }
0x80: {  	_ =	shalt  }
0x81: {  	_ =	shalt  }
0x82: {  	_ =	shalt  }
0x83: {  	_ =	shalt  }
0x84: {  	_ =	shalt  }
0x85: {  	_ =	shalt  }
0x86: {  	_ =	shalt  }
0x87: {  	_ =	shalt  }
.Lfunc_end0:
.L_simem_size_0:
called_computation.2_lowered:
.L_overlay_start_0:
0x88: {  	s2 =	sld [smem:$0x3FD9]  }
0x89: {  	s3 =	sld [smem:$0x3FFE];
	_ =	sdelay $0x1  }
0x8a: {  	s1 =	srdreg.scid  }
0x8b: {  	s0 =	sand.u32 $0x1, s1  }
0x8c: {  	s17 =	sshll.u32 s0, $0xA;
	s2 =	sadd.s32 s3, s2  }
0x8d: {  	s2 =	sadd.s32 s2, s17  }
0x8e: {  	[smem:$0x3FBD] =	sst s2  }
0x8f: {  	_ = 	snop  }
0x90: {  	(tm) =	ssettm $0x1  }
0x91: {  	s18 =	sld [smem:$0x3FFB];
	_ =	sdelay $0x3  }
0x92: {  	_ =	strace s18  }
0x93: {  	s2 =	sld [smem:$0x3FFC];
	_ =	sdelay $0x3  }
0x94: {  	_ =	strace s2  }
0x95: {  	s2 =	sld [smem:$0x3FFD];
	_ =	sdelay $0x3  }
0x96: {  	_ =	strace s2  }
0x97: {  	_ =	strace $0x8FFFFFFF  }
0x98: {  	s19 =	sld [smem:$0x3FDB];
	_ =	sdelay $0x1  }
0x99: {  	s20 =	simm.s32 $_scs_section_size  }
0x9a: {  	s4 =	simm.s32 $_size__tile_overlayer_lowered;
	s5 =	simm.s32 $_tile_overlayer_lowered  }
0x9b: {  	s6 =	simm.s32 $0x1BFF;
	s21 =	sshll.u32 s5, $0x1;
	s3 =	sadd.s32 s20, s19  }
0x9c: {  	s22 =	simm.s32 $0x0;
	s4 =	sshll.u32 s4, $0x1;
	s5 =	sadd.s32 s21, s3  }
0x9d: {  	[timem:s22], [sflag:s6] =	dma.local [hbm:s5], s4  }
0x9e: {  	_ =	swait.ge [sflag:s6], s4  }
0x9f: {  	s4 =	ssub.s32 $0x0, s4;
	[sflag:s6] =	ssyncset.done $0x0  }
0xa0: {  	[sflag:s6] =	ssyncadd.s32 s4;
	_ =	sdelay $0x1  }
0xa1: {  	s23 =	simm.s32 $0x1B8B  }
0xa2: {  	_ =	swait.ge [sflag:s23], $0x1  }
0xa3: {  	[sflag:s23] =	ssyncset.done $0x0  }
0xa4: {  	[sflag:s23] =	ssyncadd.s32 $0xFFFFFFFF  }
0xa5: {  	s4 =	sld [smem:$0x0]  }
0xa6: {  	s5 =	sand.u32 $0xFFFFFFFE, s1  }
0xa7: {  	p0 =	sne.s32 s1, s5  }
0xa8: {  	s5 =	sshll.u32 @p0 s5, $0xE  }
0xa9: {  	s5 =	sadd.s32 @p0 $0x11B8D, s5;
	s6 =	sshll.u32 @p0 s4, $0x11  }
0xaa: {  	s5 =	sor.u32 @p0 s6, s5  }
0xab: {  	[sflag:s5] =	ssyncadd.remote.s32 @p0 $0x1;
	_ =	sdelay $0x1  }
0xac: {  	s5 =	simm.s32 @p0 $0x1B8D  }
0xad: {  	_ =	swait.eq @p0 [sflag:s5], $0x1  }
0xae: {  	[sflag:s5] =	ssyncadd.s32 @p0 $0xFFFFFFFF  }
0xaf: {  	s6 =	sshll.u32 @!p0 s1, $0xE  }
0xb0: {  	s6 =	sor.u32 @!p0 $0x4000, s6;
	s5 =	simm.s32 @!p0 $0x1B8D  }
0xb1: {  	s4 =	sshll.u32 @!p0 s4, $0x11;
	s6 =	sadd.s32 @!p0 $0x11B8D, s6;
	_ =	swait.eq @!p0 [sflag:s5], $0x1  }
0xb2: {  	s4 =	sor.u32 @!p0 s4, s6;
	[sflag:s5] =	ssyncadd.s32 @!p0 $0xFFFFFFFF  }
0xb3: {  	s25 =	simm.s32 $0x1B8E;
	s24 =	sld [smem:$0x3FFE];
	[sflag:s4] =	ssyncadd.remote.s32 @!p0 $0x1  }
0xb4: {  	s26 =	simm.s32 $execute0_lowered;
	[smem:$0x3FD2] =	sst s25  }
0xb5: {  	s5 =	sshll.u32 s26, $0x1;
	_ =	strace $0x80000049;
	[dreg:$0x1] =	wrdreg $0xFFFFFFFF  }
0xb6: {  	s28 =	simm.s32 $_size_execute0_lowered;
	s3 =	sadd.s32 s3, s5;
	[dreg:$0x0] =	wrdreg $0x0  }
0xb7: {  	s5 =	sshll.u32 s28, $0x1;
	[dreg:$0x2] =	wrdreg s3  }
0xb8: {  	[dreg:$0x3] =	wrdreg s5  }
0xb9: {  	[dreg:$0x4] =	wrdreg $0xC0  }
0xba: {  	_ =	task [dreg:s22], $0x5FFFF  }
0xbb: {  	[dreg:$0x1] =	wrdreg $0xFFFFFFFF  }
0xbc: {  	[dreg:$0x0] =	wrdreg $0x60  }
0xbd: {  	[dreg:$0x2] =	wrdreg s24  }
0xbe: {  	[dreg:$0x3] =	wrdreg $0xB  }
0xbf: {  	_ =	task.clear_ibuf [dreg:s22], $0x4FFFF;
	_ =	strace $0x90000049  }
0xc0: {  	s29 =	simm.s32 $0xB;
	_ =	strace $0x8000004B  }
0xc1: {  	_ =	swait.ge [sflag:s29], $0x1  }
0xc2: {  	[sflag:s29] =	ssyncadd.s32 $0xFFFFFFFF  }
0xc3: {  	_ =	strace $0x9000004B  }
0xc4: {  	_ =	sfence  }
0xc5: {  	s30 =	sld [smem:$0x0];
	_ =	sdelay $0x2  }
0xc6: {  	s31 =	sshll.u32 s1, $0xD;
	s1 =	sshrl.u32 s1, $0x2  }
0xc7: {  	s4 =	sand.u32 $0x4000, s31;
	s1 =	sadd.s32 s1, s30  }
0xc8: {  	s0 =	sor.u32 s4, s0;
	s1 =	sshll.u32 s1, $0x11  }
0xc9: {  	s0 =	sor.u32 s1, s0  }
0xca: {  	s0 =	sadd.s32 $0x8F2B, s0  }
0xcb: {  	[sflag:s0] =	ssyncadd.remote.s32 $0x1  }
0xcc: {  	_ =	sfence.sel $0xFFFF  }
0xcd: {  	[dreg:$0x0] =	wrdreg $0xFFFFFFFF;
	(pc) =	sbr.abs _section_cstart, $3  }
0xce: {  	[dreg:$0x1] =	wrdreg $0xFFFFFFFF  }
0xcf: {  	_ =	task.clear_ibuf [dreg:s22], $0x2FFFF;
	_ =	strace $0x9FFFFFFF  }
0xd0: {  	(tm) =	ssettm $0x7FFFFFFF  }
0xd1: {  	_ =	shalt  }
tec
execute0_lowered:
.L_overlay_start_1:
0x0: {  	(tag) =	ssettag $0x1  }
0x1: {  	s1 =	srdreg.scid  }
0x2: {  	s0 =	stileid.u32;
	s4 =	rddreg [dreg:$0x0];
	s2 =	simm.s32 $0x0  }
0x3: {  	s12 =	simm.s32 $0x9;
	s13 =	simm.s32 $0x80;
	s14 =	simm.s32 $0x1900  }
0x4: {  	s15 =	simm.s32 $0x2900;
	s16 =	simm.s32 $0x3900;
	s17 =	simm.s32 $0x4900  }
0x5: {  	s18 =	simm.s32 $0x1;
	s19 =	simm.s32 $0x2;
	s20 =	simm.s32 $0x3  }
0x6: {  	s21 =	simm.s32 $0x4;
	s22 =	simm.s32 $0x5;
	s23 =	simm.s32 $0x6  }
0x7: {  	s24 =	simm.s32 $0x7;
	s25 =	simm.s32 $0x8;
	s7 =	smul.u32 $0x64000, s0  }
0x8: {  	s28 =	simm.s32 $0x1880;
	s1 =	sand.u32 $0x1, s1;
	s9 =	smul.u32 $0x3200, s0  }
0x9: {  	s29 =	simm.s32 $0x0;
	s3 =	sshll.u32 s0, $0x1;
	s11 =	smul.u32 $0x1900, s1  }
0xa: {  	s3 =	sor.u32 s1, s3;
	s30 =	ssub.s32 $0x2, s1;
	s1 =	smul.u32 $0x32000, s1  }
0xb: {  	[smem:$0x7FF] =	sst s2;
	s8 =	sadd.s32 $0x6BE00, s4;
	s5 =	smul.u32 $0x320, s3  }
0xc: {  	_ =	strace $0x8000004A;
	s6 =	smul.u32 $0x32000, s3;
	s10 =	sshrl.u32 s30, $0x1  }
0xd: {  	s3 =	sadd.s32 $0xA200, s4;
	s10 =	ssub.s32 s30, s10;
	s9 =	sadd.s32 s11, s9  }
0xe: {  	s1 =	sadd.s32 s1, s7;
	s5 =	sadd.s32 s5, s4;
	s6 =	sshrl.u32 s6, $0x3  }
0xf: {  	s9 =	sshll.u32 s9, $0x2;
	s7 =	smax.u32 s10, $0x1;
	s1 =	sshrl.u32 s1, $0x3  }
0x10: {  	s6 =	sadd.s32 s8, s6;
	s4 =	sadd.s32 $0x3E00, s5;
	s31 =	sadd.s32 s8, s9  }
0x11: {  	s8 =	sadd.s32 s1, s8;
	s5 =	sadd.s32 $0x6000, s6;
	s6 =	sadd.s32 $0x6200, s6  }
0x12: {  	s9 =	sadd.s32 $0x400, s31;
	s10 =	sadd.s32 $0x200, s31;
	s11 =	sadd.s32 $0x600, s31  }
.LBB2_1:
0x13: {  	[tilespmem:s2], [sflag:$0x9] =	stream.linear.gather [hbm4b:s4+s2], $0x1900, $0x38;
	[tilespmem:$0x5900] =	vst v63  }
0x14: {  	_ =	swait.ge [sflag:s12], $0x1900  }
0x15: {  	[sflag:s12] =	ssyncset.done $0x0  }
0x16: {  	s1 =	simm.s32 $0x0;
	[sflag:s12] =	ssyncadd.s32 $0xFFFFE700  }
0x17: {  	[tilespmem:s14], [sflag:$0x1] =	stream.indirect.gather [hbm4b:s3+s13], $0x20, s1, s13, $0xb8;
	[tilespmem:$0x5900] =	vst v63  }
0x18: {  	s26 =	simm.s32 $0x80  }
0x19: {  	[tilespmem:s15], [sflag:$0x2] =	stream.indirect.gather [hbm4b:s3+s13], $0x20, s26, s13, $0xb8;
	[tilespmem:$0x5900] =	vst v63  }
0x1a: {  	s0 =	simm.s32 $0x100  }
0x1b: {  	[tilespmem:s16], [sflag:$0x3] =	stream.indirect.gather [hbm4b:s3+s13], $0x20, s0, s13, $0xb8;
	[tilespmem:$0x5900] =	vst v63  }
0x1c: {  	s26 =	simm.s32 $0x180  }
0x1d: {  	[tilespmem:s17], [sflag:$0x4] =	stream.indirect.gather [hbm4b:s3+s13], $0x20, s26, s13, $0xb8;
	[tilespmem:$0x5900] =	vst v63  }
0x1e: {  	_ =	swait.ge [sflag:s18], $0x1000  }
0x1f: {  	[sflag:s18] =	ssyncset.done $0x0  }
0x20: {  	s0 =	sadd.s32 $0x0, s8;
	[sflag:s18] =	ssyncadd.s32 $0xFFFFF000  }
0x21: {  	[hbm4b:s0+s2] =	stream.linear.scatter [tilespmem:s14], [sflag:$0x5], $0x1000, $0x38;
	[tilespmem:$0x5900] =	vst v63  }
0x22: {  	_ =	swait.ge [sflag:s19], $0x1000  }
0x23: {  	[sflag:s19] =	ssyncset.done $0x0  }
0x24: {  	s26 =	sadd.s32 $0x0, s10;
	[sflag:s19] =	ssyncadd.s32 $0xFFFFF000  }
0x25: {  	[hbm4b:s26+s2] =	stream.linear.scatter [tilespmem:s15], [sflag:$0x6], $0x1000, $0x38;
	[tilespmem:$0x5900] =	vst v63  }
0x26: {  	_ =	swait.ge [sflag:s20], $0x1000  }
0x27: {  	[sflag:s20] =	ssyncset.done $0x0  }
0x28: {  	s0 =	sadd.s32 $0x0, s9;
	[sflag:s20] =	ssyncadd.s32 $0xFFFFF000  }
0x29: {  	[hbm4b:s0+s2] =	stream.linear.scatter [tilespmem:s16], [sflag:$0x7], $0x1000, $0x38;
	[tilespmem:$0x5900] =	vst v63  }
0x2a: {  	_ =	swait.ge [sflag:s21], $0x1000  }
0x2b: {  	[sflag:s21] =	ssyncset.done $0x0  }
0x2c: {  	s26 =	sadd.s32 $0x0, s11;
	[sflag:s21] =	ssyncadd.s32 $0xFFFFF000  }
0x2d: {  	[hbm4b:s26+s2] =	stream.linear.scatter [tilespmem:s17], [sflag:$0x8], $0x1000, $0x38;
	[tilespmem:$0x5900] =	vst v63  }
0x2e: {  	_ =	swait.ge [sflag:s22], $0x1000  }
0x2f: {  	[sflag:s22] =	ssyncset.done $0x0  }
0x30: {  	[sflag:s22] =	ssyncadd.s32 $0xFFFFF000  }
0x31: {  	_ =	swait.ge [sflag:s23], $0x1000  }
0x32: {  	[sflag:s23] =	ssyncset.done $0x0  }
0x33: {  	[sflag:s23] =	ssyncadd.s32 $0xFFFFF000  }
0x34: {  	_ =	swait.ge [sflag:s24], $0x1000  }
0x35: {  	[sflag:s24] =	ssyncset.done $0x0  }
0x36: {  	[sflag:s24] =	ssyncadd.s32 $0xFFFFF000  }
0x37: {  	_ =	swait.ge [sflag:s25], $0x1000  }
0x38: {  	s30 =	simm.s32 $0x800;
	s31 =	simm.s32 $0x1000;
	[sflag:s25] =	ssyncset.done $0x0  }
.LBB2_2:
0x39: {  	s0 =	sshra.s32 s30, $0x2  }
0x3a: {  	[sflag:s25] =	ssyncadd.s32 $0xFFFFF000;
	s26 =	smov.u32 s31;
	s1 =	sadd.s32 $0x800, s31  }
0x3b: {  	[tilespmem:s14], [sflag:$0x1] =	stream.indirect.gather [hbm4b:s3+s13], $0x20, s0, s13, $0xb8;
	[tilespmem:$0x5900] =	vst v63  }
0x3c: {  	p0 =	sne.s32 s31, $0x5800;
	s31 =	sadd.s32 $0x80, s0  }
0x3d: {  	[tilespmem:s15], [sflag:$0x2] =	stream.indirect.gather [hbm4b:s3+s13], $0x20, s31, s13, $0xb8;
	[tilespmem:$0x5900] =	vst v63  }
0x3e: {  	s31 =	sadd.s32 $0x100, s0  }
0x3f: {  	[tilespmem:s16], [sflag:$0x3] =	stream.indirect.gather [hbm4b:s3+s13], $0x20, s31, s13, $0xb8;
	[tilespmem:$0x5900] =	vst v63  }
0x40: {  	s0 =	sadd.s32 $0x180, s0  }
0x41: {  	[tilespmem:s17], [sflag:$0x4] =	stream.indirect.gather [hbm4b:s3+s13], $0x20, s0, s13, $0xb8;
	[tilespmem:$0x5900] =	vst v63  }
0x42: {  	_ =	swait.ge [sflag:s18], $0x1000  }
0x43: {  	[sflag:s18] =	ssyncset.done $0x0  }
0x44: {  	s0 =	sadd.s32 s30, s8;
	[sflag:s18] =	ssyncadd.s32 $0xFFFFF000  }
0x45: {  	[hbm4b:s0+s2] =	stream.linear.scatter [tilespmem:s14], [sflag:$0x5], $0x1000, $0x38;
	[tilespmem:$0x5900] =	vst v63  }
0x46: {  	_ =	swait.ge [sflag:s19], $0x1000  }
0x47: {  	[sflag:s19] =	ssyncset.done $0x0  }
0x48: {  	s0 =	sadd.s32 s30, s10;
	[sflag:s19] =	ssyncadd.s32 $0xFFFFF000  }
0x49: {  	[hbm4b:s0+s2] =	stream.linear.scatter [tilespmem:s15], [sflag:$0x6], $0x1000, $0x38;
	[tilespmem:$0x5900] =	vst v63  }
0x4a: {  	_ =	swait.ge [sflag:s20], $0x1000  }
0x4b: {  	[sflag:s20] =	ssyncset.done $0x0  }
0x4c: {  	s0 =	sadd.s32 s30, s9;
	[sflag:s20] =	ssyncadd.s32 $0xFFFFF000  }
0x4d: {  	[hbm4b:s0+s2] =	stream.linear.scatter [tilespmem:s16], [sflag:$0x7], $0x1000, $0x38;
	[tilespmem:$0x5900] =	vst v63  }
0x4e: {  	_ =	swait.ge [sflag:s21], $0x1000  }
0x4f: {  	[sflag:s21] =	ssyncset.done $0x0  }
0x50: {  	s0 =	sadd.s32 s30, s11;
	s30 =	smov.u32 s26;
	[sflag:s21] =	ssyncadd.s32 $0xFFFFF000  }
0x51: {  	[hbm4b:s0+s2] =	stream.linear.scatter [tilespmem:s17], [sflag:$0x8], $0x1000, $0x38;
	[tilespmem:$0x5900] =	vst v63  }
0x52: {  	_ =	swait.ge [sflag:s22], $0x1000  }
0x53: {  	[sflag:s22] =	ssyncset.done $0x0  }
0x54: {  	[sflag:s22] =	ssyncadd.s32 $0xFFFFF000  }
0x55: {  	_ =	swait.ge [sflag:s23], $0x1000  }
0x56: {  	[sflag:s23] =	ssyncset.done $0x0  }
0x57: {  	[sflag:s23] =	ssyncadd.s32 $0xFFFFF000  }
.Ltmp0:
0x58: {  	_ =	swait.ge [sflag:s24], $0x1000;
	(pc) =	sbr.rel @p0 .LBB2_2-.Ltmp0, $4  }
0x59: {  	[sflag:s24] =	ssyncset.done $0x0  }
0x5a: {  	[sflag:s24] =	ssyncadd.s32 $0xFFFFF000  }
0x5b: {  	_ =	swait.ge [sflag:s25], $0x1000  }
0x5c: {  	s31 =	smov.u32 s1;
	[sflag:s25] =	ssyncset.done $0x0  }
0x5d: {  	s0 =	sshra.s32 s30, $0x2;
	[sflag:s25] =	ssyncadd.s32 $0xFFFFF000  }
0x5e: {  	[tilespmem:s14], [sflag:$0x1] =	stream.indirect.gather [hbm4b:s3+s13], $0x20, s0, s13, $0xb8;
	[tilespmem:$0x5900] =	vst v63  }
0x5f: {  	s1 =	sadd.s32 $0x80, s0  }
0x60: {  	[tilespmem:s15], [sflag:$0x2] =	stream.indirect.gather [hbm4b:s3+s13], $0x20, s1, s13, $0xb8;
	[tilespmem:$0x5900] =	vst v63  }
0x61: {  	s26 =	sadd.s32 $0x100, s0  }
0x62: {  	[tilespmem:s16], [sflag:$0x3] =	stream.indirect.gather [hbm4b:s3+s13], $0x20, s26, s13, $0xb8;
	[tilespmem:$0x5900] =	vst v63  }
0x63: {  	s0 =	sadd.s32 $0x180, s0  }
0x64: {  	[tilespmem:s17], [sflag:$0x4] =	stream.indirect.gather [hbm4b:s3+s13], $0x20, s0, s13, $0xb8;
	[tilespmem:$0x5900] =	vst v63  }
0x65: {  	_ =	swait.ge [sflag:s18], $0x1000  }
0x66: {  	[sflag:s18] =	ssyncset.done $0x0  }
0x67: {  	s31 =	sadd.s32 s30, s8;
	[sflag:s18] =	ssyncadd.s32 $0xFFFFF000  }
0x68: {  	[hbm4b:s31+s2] =	stream.linear.scatter [tilespmem:s14], [sflag:$0x5], $0x1000, $0x38;
	[tilespmem:$0x5900] =	vst v63  }
0x69: {  	_ =	swait.ge [sflag:s19], $0x1000  }
0x6a: {  	[sflag:s19] =	ssyncset.done $0x0  }
0x6b: {  	s1 =	sadd.s32 s30, s10;
	[sflag:s19] =	ssyncadd.s32 $0xFFFFF000  }
0x6c: {  	[hbm4b:s1+s2] =	stream.linear.scatter [tilespmem:s15], [sflag:$0x6], $0x1000, $0x38;
	[tilespmem:$0x5900] =	vst v63  }
0x6d: {  	_ =	swait.ge [sflag:s20], $0x1000  }
0x6e: {  	[sflag:s20] =	ssyncset.done $0x0  }
0x6f: {  	s26 =	sadd.s32 s30, s9;
	[sflag:s20] =	ssyncadd.s32 $0xFFFFF000  }
0x70: {  	[hbm4b:s26+s2] =	stream.linear.scatter [tilespmem:s16], [sflag:$0x7], $0x1000, $0x38;
	[tilespmem:$0x5900] =	vst v63  }
0x71: {  	_ =	swait.ge [sflag:s21], $0x1000  }
0x72: {  	[sflag:s21] =	ssyncset.done $0x0  }
0x73: {  	s30 =	sadd.s32 s30, s11;
	[sflag:s21] =	ssyncadd.s32 $0xFFFFF000  }
0x74: {  	[hbm4b:s30+s2] =	stream.linear.scatter [tilespmem:s17], [sflag:$0x8], $0x1000, $0x38;
	[tilespmem:$0x5900] =	vst v63  }
0x75: {  	_ =	swait.ge [sflag:s22], $0x1000  }
0x76: {  	[sflag:s22] =	ssyncset.done $0x0  }
0x77: {  	[sflag:s22] =	ssyncadd.s32 $0xFFFFF000  }
0x78: {  	_ =	swait.ge [sflag:s23], $0x1000  }
0x79: {  	[sflag:s23] =	ssyncset.done $0x0  }
0x7a: {  	[sflag:s23] =	ssyncadd.s32 $0xFFFFF000  }
0x7b: {  	_ =	swait.ge [sflag:s24], $0x1000  }
0x7c: {  	[sflag:s24] =	ssyncset.done $0x0  }
0x7d: {  	[sflag:s24] =	ssyncadd.s32 $0xFFFFF000  }
0x7e: {  	_ =	swait.ge [sflag:s25], $0x1000  }
0x7f: {  	[sflag:s25] =	ssyncset.done $0x0  }
0x80: {  	s31 =	simm.s32 $0x1800;
	[sflag:s25] =	ssyncadd.s32 $0xFFFFF000  }
0x81: {  	[tilespmem:s14], [sflag:$0x1] =	stream.indirect.gather [hbm4b:s3+s13], $0x20, s31, s13, $0xb8;
	[tilespmem:$0x5900] =	vst v63  }
0x82: {  	_ =	swait.ge [sflag:s18], $0x1000  }
0x83: {  	[sflag:s18] =	ssyncset.done $0x0  }
0x84: {  	[sflag:s18] =	ssyncadd.s32 $0xFFFFF000  }
0x85: {  	[hbm4b:s5+s2] =	stream.linear.scatter [tilespmem:s14], [sflag:$0x9], $0x1000, $0x38;
	[tilespmem:$0x5900] =	vst v63  }
0x86: {  	_ =	swait.ge [sflag:s12], $0x1000  }
0x87: {  	[sflag:s12] =	ssyncset.done $0x0  }
0x88: {  	[sflag:s12] =	ssyncadd.s32 $0xFFFFF000  }
0x89: {  	[tilespmem:s15], [sflag:$0x2] =	stream.indirect.gather [hbm4b:s3+s13], $0x20, s28, s13, $0xb8;
	[tilespmem:$0x5900] =	vst v63  }
0x8a: {  	s29 =	sadd.s32 $0x1, s29;
	_ =	swait.ge [sflag:s19], $0x1000  }
0x8b: {  	p0 =	sne.s32 s29, s7;
	[sflag:s19] =	ssyncset.done $0x0  }
.Ltmp1:
0x8c: {  	[sflag:s19] =	ssyncadd.s32 $0xFFFFF000;
	(pc) =	sbr.rel @p0 .LBB2_1-.Ltmp1, $4  }
0x8d: {  	[hbm4b:s6+s2] =	stream.linear.scatter [tilespmem:s15], [sflag:$0x9], $0x1000, $0x38;
	[tilespmem:$0x5900] =	vst v63  }
0x8e: {  	_ =	swait.ge [sflag:s12], $0x1000  }
0x8f: {  	[sflag:s12] =	ssyncset.done $0x0  }
0x90: {  	[sflag:s12] =	ssyncadd.s32 $0xFFFFF000  }
0x91: {  	_ =	sfence.sel $0x180000  }
0x92: {  	[bflag:$0x0] =	sbarrier.arrive $0xFFFF  }
0x93: {  	_ =	strace $0x9000004A  }
0x94: {  	s0 =	stileid.u32;
	[bflag:$0x2] =	sbarrier.arrive $0xFFFF  }
0x95: {  	p0 =	sne.s32 s0, $0x0;
	s0 =	rddreg [dreg:$0x1]  }
0x96: {  	s0 =	sadd.s32 @!p0 $0x100000, s0  }
0x97: {  	[sflag:s0] =	ssyncadd.tile.s32 @!p0 $0x1;
	_ =	shalt  }
.Lfunc_end2:
_tile_overlayer_lowered:
.L_overlay_start_2:
0x98: {  	(tag) =	ssettag $0x2  }
0x99: {  	s0 =	rddreg [dreg:$0x0];
	s2 =	stileid.u32  }
0x9a: {  	s1 =	rddreg [dreg:$0x1];
	p0 =	sne.s32 s2, $0x0  }
0x9b: {  	s3 =	rddreg [dreg:$0x2];
	[bflag:$0x3] =	sbarrier.arrive $0xFFFF;
	s2 =	simm.s32 @!p0 $0x1C09  }
0x9c: {  	[timem:s3], [sflag:s2] =	dma.local @!p0 [hbm:s0], s1  }
0x9d: {  	s0 =	simm.s32 @!p0 $0x9  }
0x9e: {  	_ =	swait.ge @!p0 [sflag:s0], s1  }
0x9f: {  	s1 =	ssub.s32 @!p0 $0x0, s1;
	[sflag:s0] =	ssyncset.done @!p0 $0x0  }
0xa0: {  	[sflag:s0] =	ssyncadd.s32 @!p0 s1  }
0xa1: {  	[bflag:$0x3] =	sbarrier.arrive $0xFFFF  }
0xa2: {  	_ =	shalt  }

// kernel: kernel.6.cloned.1.call-start
scs
__scs_entry_jumppad:
0x0: {  	(pc) =	sbr.rel $0x88, $3  }
0x1: {  	(tag) =	ssettag $0x0;
	lr =	simm.s32 $0x1  }
0x2: {  	[smem:$0x3F96] =	sst lr;
	_ =	strace $0xD0000000  }
0x3: {  	_ = 	snop  }
0x4: {  	_ = 	snop  }
0x5: {  	_ = 	snop  }
0x6: {  	_ = 	snop  }
0x7: {  	_ = 	snop  }
__scs_overlays_trampoline_lowered:
0x8: {  	[smem:$0x3FA5] =	sst s0  }
0x9: {  	[smem:$0x3FA6] =	sst s1  }
0xa: {  	[smem:$0x3FA7] =	sst s2  }
0xb: {  	[smem:$0x3FA8] =	sst s3  }
0xc: {  	[smem:$0x3FA9] =	sst s4  }
0xd: {  	[smem:$0x3FAA] =	sst s5  }
0xe: {  	[smem:$0x3FAB] =	sst s6  }
0xf: {  	[smem:$0x3FAC] =	sst s7  }
0x10: {  	[smem:$0x3FAD] =	sst s8  }
0x11: {  	[smem:$0x3FAE] =	sst s9;
	s0 =	simm.s32 @!p0 $0x0  }
0x12: {  	s1 =	sld [smem:$0x3F94];
	s0 =	simm.s32 @p0 $0x1  }
0x13: {  	[smem:$0x3FAF] =	sst s0;
	s0 =	simm.s32 @!p1 $0x0  }
0x14: {  	s2 =	sld [smem:$0x3F93];
	s0 =	simm.s32 @p1 $0x1  }
0x15: {  	[smem:$0x3FB0] =	sst s0;
	s0 =	simm.s32 @!p2 $0x0  }
0x16: {  	s3 =	sld [smem:$0x3FDB];
	s0 =	simm.s32 @p2 $0x1  }
0x17: {  	s4 =	simm.s32 $0x1BF5;
	[smem:$0x3FB2] =	sst s0  }
0x18: {  	s0 =	sld [smem:$0x3F95];
	_ =	swait.ge [sflag:s4], $0x0  }
0x19: {  	s7 =	sld [smem:$0x3F96]  }
0x1a: {  	s8 =	sadd.s32 $0xFFFFE003, lr  }
0x1b: {  	s9 =	sadd.s32 $0xFFFFFEF7, lr;
	s5 =	simm.s32 $0xFFFFFFFF;
	p2 =	slt.u32 s8, $0xFFFFF086  }
0x1c: {  	p1 =	slt.u32 s9, $0xF7A;
	s5 =	simm.s32 @!p2 $0x0  }
0x1d: {  	s5 =	simm.s32 @p1 $0x1;
	p0 =	seq.s32 s7, s2  }
0x1e: {  	s7 =	smul.u32 @!p0 $0xF7A, s2;
	p2 =	seq.s32 @!p0 s5, $0x0  }
0x1f: {  	s9 =	smul.u32 $0xF7A, s1;
	s8 =	simm.s32 @!p0 $0x1BF5;
	p2 =	por !p2, p0  }
0x20: {  	[sflag:s8] =	ssyncset.s32 @!p0 $0xFFFFF086;
	s6 =	sadd.s32 @!p0 s3, s7;
	s7 =	simm.s32 @!p0 $0x108  }
0x21: {  	s3 =	sadd.s32 s3, s9;
	s6 =	sadd.s32 @!p0 $0x88, s6;
	s7 =	simm.s32 @p2 $0x1082  }
0x22: {  	[simem:s7], [sflag:s8] =	dma.local @!p0 [hbm:s6], $0xF7A  }
0x23: {  	s9 =	sor.u32 $0xD0000000, s2;
	s6 =	simm.s32 $0x108;
	_ =	swait.ge @!p0 [sflag:s8], $0x0  }
0x24: {  	s3 =	sadd.s32 $0x88, s3;
	s6 =	simm.s32 @!p1 $0x1082;
	[sflag:s4] =	ssyncset.s32 $0xFFFFF086  }
0x25: {  	[simem:s6], [sflag:s4] =	dma.local [hbm:s3], $0xF7A  }
0x26: {  	[smem:$0x3F96] =	sst s1;
	(tag) =	ssettag s2;
	_ =	strace s9  }
0x27: {  	s1 =	sld [smem:$0x3FA6]  }
0x28: {  	s2 =	sld [smem:$0x3FA7]  }
0x29: {  	s4 =	sld [smem:$0x3FA9]  }
0x2a: {  	p0 =	seq.s32 s5, $0x0;
	s5 =	sld [smem:$0x3FAA]  }
0x2b: {  	s6 =	sld [smem:$0x3FAB]  }
0x2c: {  	s7 =	sld [smem:$0x3FAC]  }
0x2d: {  	s3 =	simm.s32 $0x108;
	s8 =	sld [smem:$0x3FAD]  }
0x2e: {  	s3 =	simm.s32 @!p0 $0x1082;
	s9 =	sld [smem:$0x3FAE]  }
0x2f: {  	lr =	sadd.s32 s0, s3;
	s0 =	sld [smem:$0x3FA5]  }
0x30: {  	s3 =	sld [smem:$0x3FA8]  }
0x31: {  	[smem:$0x3FB1] =	sst s10  }
0x32: {  	s10 =	sld [smem:$0x3FAF];
	_ =	sdelay $0x3  }
0x33: {  	p0 =	seq.s32 s10, $0x1;
	s10 =	sld [smem:$0x3FB1];
	_ =	sdelay $0x3  }
0x34: {  	[smem:$0x3FB1] =	sst s10  }
0x35: {  	s10 =	sld [smem:$0x3FB0];
	_ =	sdelay $0x3  }
0x36: {  	p1 =	seq.s32 s10, $0x1;
	s10 =	sld [smem:$0x3FB1];
	_ =	sdelay $0x3  }
0x37: {  	[smem:$0x3FB1] =	sst s10  }
0x38: {  	s10 =	sld [smem:$0x3FB2]  }
0x39: {  	_ = 	snop;
	(pc) =	sbr.ind lr, $3  }
0x3a: {  	_ = 	snop  }
0x3b: {  	_ = 	snop  }
0x3c: {  	p2 =	seq.s32 s10, $0x1;
	s10 =	sld [smem:$0x3FB1]  }
0x3d: {  	_ =	shalt  }
0x3e: {  	_ =	shalt  }
0x3f: {  	_ =	shalt  }
0x40: {  	_ =	shalt  }
0x41: {  	_ =	shalt  }
0x42: {  	_ =	shalt  }
0x43: {  	_ =	shalt  }
0x44: {  	_ =	shalt  }
0x45: {  	_ =	shalt  }
0x46: {  	_ =	shalt  }
0x47: {  	_ =	shalt  }
0x48: {  	_ =	shalt  }
0x49: {  	_ =	shalt  }
0x4a: {  	_ =	shalt  }
0x4b: {  	_ =	shalt  }
0x4c: {  	_ =	shalt  }
0x4d: {  	_ =	shalt  }
0x4e: {  	_ =	shalt  }
0x4f: {  	_ =	shalt  }
0x50: {  	_ =	shalt  }
0x51: {  	_ =	shalt  }
0x52: {  	_ =	shalt  }
0x53: {  	_ =	shalt  }
0x54: {  	_ =	shalt  }
0x55: {  	_ =	shalt  }
0x56: {  	_ =	shalt  }
0x57: {  	_ =	shalt  }
0x58: {  	_ =	shalt  }
0x59: {  	_ =	shalt  }
0x5a: {  	_ =	shalt  }
0x5b: {  	_ =	shalt  }
0x5c: {  	_ =	shalt  }
0x5d: {  	_ =	shalt  }
0x5e: {  	_ =	shalt  }
0x5f: {  	_ =	shalt  }
0x60: {  	_ =	shalt  }
0x61: {  	_ =	shalt  }
0x62: {  	_ =	shalt  }
0x63: {  	_ =	shalt  }
0x64: {  	_ =	shalt  }
0x65: {  	_ =	shalt  }
0x66: {  	_ =	shalt  }
0x67: {  	_ =	shalt  }
0x68: {  	_ =	shalt  }
0x69: {  	_ =	shalt  }
0x6a: {  	_ =	shalt  }
0x6b: {  	_ =	shalt  }
0x6c: {  	_ =	shalt  }
0x6d: {  	_ =	shalt  }
0x6e: {  	_ =	shalt  }
0x6f: {  	_ =	shalt  }
0x70: {  	_ =	shalt  }
0x71: {  	_ =	shalt  }
0x72: {  	_ =	shalt  }
0x73: {  	_ =	shalt  }
0x74: {  	_ =	shalt  }
0x75: {  	_ =	shalt  }
0x76: {  	_ =	shalt  }
0x77: {  	_ =	shalt  }
0x78: {  	_ =	shalt  }
0x79: {  	_ =	shalt  }
0x7a: {  	_ =	shalt  }
0x7b: {  	_ =	shalt  }
0x7c: {  	_ =	shalt  }
0x7d: {  	_ =	shalt  }
0x7e: {  	_ =	shalt  }
0x7f: {  	_ =	shalt  }
0x80: {  	_ =	shalt  }
0x81: {  	_ =	shalt  }
0x82: {  	_ =	shalt  }
0x83: {  	_ =	shalt  }
0x84: {  	_ =	shalt  }
0x85: {  	_ =	shalt  }
0x86: {  	_ =	shalt  }
0x87: {  	_ =	shalt  }
.Lfunc_end0:
.L_simem_size_0:
called_computation_lowered:
.L_overlay_start_0:
0x88: {  	s2 =	sld [smem:$0x3FD9]  }
0x89: {  	s3 =	sld [smem:$0x3FFE];
	_ =	sdelay $0x1  }
0x8a: {  	s1 =	srdreg.scid  }
0x8b: {  	s0 =	sand.u32 $0x1, s1  }
0x8c: {  	s17 =	sshll.u32 s0, $0xA;
	s2 =	sadd.s32 s3, s2  }
0x8d: {  	s2 =	sadd.s32 s2, s17  }
0x8e: {  	[smem:$0x3FBD] =	sst s2  }
0x8f: {  	_ = 	snop  }
0x90: {  	s2 =	sld [smem:$0x3FC9]  }
0x91: {  	s18 =	sld [smem:$0x3FD0];
	(tm) =	ssettm $0x1  }
0x92: {  	s4 =	sld [smem:$0x3FFB];
	_ =	sdelay $0x3  }
0x93: {  	_ =	strace s4  }
0x94: {  	s4 =	sld [smem:$0x3FFC];
	_ =	sdelay $0x3  }
0x95: {  	_ =	strace s4  }
0x96: {  	s4 =	sld [smem:$0x3FFD];
	_ =	sdelay $0x3  }
0x97: {  	_ =	strace s4  }
0x98: {  	_ =	strace $0x8FFFFFFF  }
0x99: {  	s19 =	sld [smem:$0x3FDB];
	_ =	sdelay $0x1  }
0x9a: {  	s5 =	simm.s32 $_scs_section_size  }
0x9b: {  	s6 =	simm.s32 $_size__tile_overlayer_lowered;
	s7 =	simm.s32 $_tile_overlayer_lowered  }
0x9c: {  	s22 =	simm.s32 $0x1BFF;
	s21 =	sshll.u32 s7, $0x1;
	s4 =	sadd.s32 s5, s19  }
0x9d: {  	s8 =	simm.s32 $0x0;
	s20 =	sshll.u32 s6, $0x1;
	s6 =	sadd.s32 s21, s4  }
0x9e: {  	[timem:s8], [sflag:s22] =	dma.local [hbm:s6], s20  }
0x9f: {  	_ =	swait.ge [sflag:s22], s20  }
0xa0: {  	s5 =	ssub.s32 $0x0, s20;
	[sflag:s22] =	ssyncset.done $0x0  }
0xa1: {  	[sflag:s22] =	ssyncadd.s32 s5;
	_ =	sdelay $0x1  }
0xa2: {  	s23 =	simm.s32 $0x1B8B  }
0xa3: {  	_ =	swait.ge [sflag:s23], $0x1  }
0xa4: {  	[sflag:s23] =	ssyncset.done $0x0  }
0xa5: {  	s25 =	simm.s32 $0x1B8E;
	s24 =	sld [smem:$0x3FFE];
	[sflag:s23] =	ssyncadd.s32 $0xFFFFFFFF  }
0xa6: {  	s26 =	simm.s32 $execute0_lowered;
	[smem:$0x3FD2] =	sst s25  }
0xa7: {  	s6 =	sshll.u32 s26, $0x1;
	_ =	strace $0x80000046;
	[dreg:$0x1] =	wrdreg $0xFFFFFFFF  }
0xa8: {  	s28 =	simm.s32 $_size_execute0_lowered;
	s4 =	sadd.s32 s4, s6;
	[dreg:$0x0] =	wrdreg $0x0  }
0xa9: {  	s6 =	sshll.u32 s28, $0x1;
	[dreg:$0x2] =	wrdreg s4  }
0xaa: {  	[dreg:$0x3] =	wrdreg s6  }
0xab: {  	[dreg:$0x4] =	wrdreg $0xC0  }
0xac: {  	_ =	task [dreg:s8], $0x5FFFF  }
0xad: {  	[dreg:$0x1] =	wrdreg $0xFFFFFFFF  }
0xae: {  	[dreg:$0x0] =	wrdreg $0x60  }
0xaf: {  	[dreg:$0x2] =	wrdreg s2  }
0xb0: {  	[dreg:$0x3] =	wrdreg s24  }
0xb1: {  	[dreg:$0x4] =	wrdreg s18  }
0xb2: {  	[dreg:$0x5] =	wrdreg $0x9  }
0xb3: {  	_ =	task.clear_ibuf [dreg:s8], $0x6FFFF;
	_ =	strace $0x90000046  }
0xb4: {  	s29 =	simm.s32 $0x9;
	_ =	strace $0x80000048  }
0xb5: {  	_ =	swait.ge [sflag:s29], $0x1  }
0xb6: {  	[sflag:s29] =	ssyncadd.s32 $0xFFFFFFFF  }
0xb7: {  	_ =	strace $0x90000048  }
0xb8: {  	_ =	sfence  }
0xb9: {  	s30 =	sld [smem:$0x0];
	_ =	sdelay $0x2  }
0xba: {  	s31 =	sshll.u32 s1, $0xD;
	s1 =	sshrl.u32 s1, $0x2  }
0xbb: {  	s3 =	sand.u32 $0x4000, s31;
	s1 =	sadd.s32 s1, s30  }
0xbc: {  	s0 =	sor.u32 s3, s0;
	s1 =	sshll.u32 s1, $0x11  }
0xbd: {  	s0 =	sor.u32 s1, s0  }
0xbe: {  	s0 =	sadd.s32 $0x8F2B, s0  }
0xbf: {  	[sflag:s0] =	ssyncadd.remote.s32 $0x1  }
0xc0: {  	_ =	sfence.sel $0xFFFF  }
0xc1: {  	[dreg:$0x0] =	wrdreg $0xFFFFFFFF;
	(pc) =	sbr.abs _section_cstart, $3  }
0xc2: {  	[dreg:$0x1] =	wrdreg $0xFFFFFFFF  }
0xc3: {  	_ =	task.clear_ibuf [dreg:s8], $0x2FFFF;
	_ =	strace $0x9FFFFFFF  }
0xc4: {  	(tm) =	ssettm $0x7FFFFFFF  }
0xc5: {  	_ =	shalt  }
tec
execute0_lowered:
.L_overlay_start_1:
0x0: {  	(tag) =	ssettag $0x1  }
0x1: {  	s1 =	stileid.u32  }
0x2: {  	p0 =	sgt.u32 s1, $0x3  }
.Ltmp0:
0x3: {  	s3 =	rddreg [dreg:$0x0];
	(pc) =	sbr.rel @p0 .LBB2_4-.Ltmp0, $4  }
0x4: {  	s5 =	rddreg [dreg:$0x1]  }
0x5: {  	s8 =	rddreg [dreg:$0x2];
	s2 =	simm.s32 $0x0  }
0x6: {  	[smem:$0x7FF] =	sst s2  }
0x7: {  	s0 =	rddreg [dreg:$0x3];
	_ =	strace $0x80000047  }
0x8: {  	s4 =	srdreg.scid  }
0x9: {  	s30 =	sshll.u32 s1, $0x1;
	s6 =	sand.u32 $0x1, s4  }
0xa: {  	s9 =	sor.u32 s6, s30  }
0xb: {  	s4 =	sshll.u32 s9, $0x4  }
0xc: {  	s10 =	ssub.s32 $0x2, s6;
	s4 =	sadd.s32 s3, s4;
	s3 =	simm.s32 $0x2  }
0xd: {  	[tilespmem:s2], [sflag:$0x2] =	stream.linear.gather [hbm4b:s4+s2], $0x80, $0x38;
	[tilespmem:$0x1080] =	vst v63  }
0xe: {  	s5 =	sadd.s32 $0x18A800, s5;
	s11 =	sshrl.u32 s10, $0x1;
	_ =	swait.ge [sflag:s3], $0x80  }
0xf: {  	s7 =	simm.s32 $0x1;
	s10 =	ssub.s32 s10, s11;
	[sflag:s3] =	ssyncset.done $0x0  }
0x10: {  	s6 =	simm.s32 $0x80;
	s31 =	smax.u32 s10, $0x1;
	[sflag:s3] =	ssyncadd.s32 $0xFFFFFF80  }
0x11: {  	[tilespmem:s6], [sflag:$0x1] =	stream.indirect.gather [hbm4b:s5+s6], $0x20, s2, s6, $0xb8;
	[tilespmem:$0x1080] =	vst v63  }
0x12: {  	p0 =	sne.s32 s31, $0x1;
	_ =	swait.ge [sflag:s7], $0x1000  }
.Ltmp1:
0x13: {  	s9 =	sshll.u32 s9, $0x9;
	[sflag:s7] =	ssyncset.done $0x0;
	(pc) =	sbr.rel @!p0 .LBB2_3-.Ltmp1, $4  }
0x14: {  	s8 =	sadd.s32 s8, s9;
	[sflag:s7] =	ssyncadd.s32 $0xFFFFF000  }
0x15: {  	[hbm4b:s8+s2] =	stream.linear.scatter [tilespmem:s6], [sflag:$0x2], $0x1000, $0x38;
	[tilespmem:$0x1080] =	vst v63  }
0x16: {  	_ =	swait.ge [sflag:s3], $0x1000  }
0x17: {  	s9 =	sadd.s32 $0xFFFFFFFF, s31;
	[sflag:s3] =	ssyncset.done $0x0  }
.LBB2_2:
0x18: {  	p0 =	sne.s32 s9, $0x1;
	s9 =	sadd.s32 $0xFFFFFFFF, s9;
	[sflag:s3] =	ssyncadd.s32 $0xFFFFF000  }
0x19: {  	[tilespmem:s2], [sflag:$0x2] =	stream.linear.gather [hbm4b:s4+s2], $0x80, $0x38;
	[tilespmem:$0x1080] =	vst v63  }
0x1a: {  	_ =	swait.ge [sflag:s3], $0x80  }
0x1b: {  	[sflag:s3] =	ssyncset.done $0x0  }
0x1c: {  	[sflag:s3] =	ssyncadd.s32 $0xFFFFFF80  }
0x1d: {  	[tilespmem:s6], [sflag:$0x1] =	stream.indirect.gather [hbm4b:s5+s6], $0x20, s2, s6, $0xb8;
	[tilespmem:$0x1080] =	vst v63  }
0x1e: {  	_ =	swait.ge [sflag:s7], $0x1000  }
.Ltmp2:
0x1f: {  	[sflag:s7] =	ssyncset.done $0x0;
	(pc) =	sbr.rel @p0 .LBB2_2-.Ltmp2, $4  }
0x20: {  	[sflag:s7] =	ssyncadd.s32 $0xFFFFF000  }
0x21: {  	[hbm4b:s8+s2] =	stream.linear.scatter [tilespmem:s6], [sflag:$0x2], $0x1000, $0x38;
	[tilespmem:$0x1080] =	vst v63  }
0x22: {  	_ =	swait.ge [sflag:s3], $0x1000  }
0x23: {  	[sflag:s3] =	ssyncset.done $0x0  }
.LBB2_3:
0x24: {  	[sflag:s3] =	ssyncadd.s32 $0xFFFFF000  }
.LBB2_4:
0x25: {  	_ =	sfence.sel $0x180000  }
0x26: {  	[bflag:$0x0] =	sbarrier.arrive $0xFFFF  }
0x27: {  	p0 =	sne.s32 s1, $0x0;
	_ =	strace $0x90000047  }
0x28: {  	s0 =	sadd.s32 @!p0 $0x100000, s0;
	[bflag:$0x2] =	sbarrier.arrive $0xFFFF  }
0x29: {  	[sflag:s0] =	ssyncadd.tile.s32 @!p0 $0x1;
	_ =	shalt  }
.Lfunc_end2:
_tile_overlayer_lowered:
.L_overlay_start_2:
0x2a: {  	(tag) =	ssettag $0x2  }
0x2b: {  	s0 =	rddreg [dreg:$0x0];
	s2 =	stileid.u32  }
0x2c: {  	s1 =	rddreg [dreg:$0x1];
	p0 =	sne.s32 s2, $0x0  }
0x2d: {  	s3 =	rddreg [dreg:$0x2];
	[bflag:$0x3] =	sbarrier.arrive $0xFFFF;
	s2 =	simm.s32 @!p0 $0x1C02  }
0x2e: {  	[timem:s3], [sflag:s2] =	dma.local @!p0 [hbm:s0], s1  }
0x2f: {  	s0 =	simm.s32 @!p0 $0x2  }
0x30: {  	_ =	swait.ge @!p0 [sflag:s0], s1  }
0x31: {  	s1 =	ssub.s32 @!p0 $0x0, s1;
	[sflag:s0] =	ssyncset.done @!p0 $0x0  }
0x32: {  	[sflag:s0] =	ssyncadd.s32 @!p0 s1  }
0x33: {  	[bflag:$0x3] =	sbarrier.arrive $0xFFFF  }
0x34: {  	_ =	shalt  }

// kernel: kernel.9.cloned.1.call-start
scs
__scs_entry_jumppad:
0x0: {  	(pc) =	sbr.rel $0x88, $3  }
0x1: {  	(tag) =	ssettag $0x0;
	lr =	simm.s32 $0x1  }
0x2: {  	[smem:$0x3F96] =	sst lr;
	_ =	strace $0xD0000000  }
0x3: {  	_ = 	snop  }
0x4: {  	_ = 	snop  }
0x5: {  	_ = 	snop  }
0x6: {  	_ = 	snop  }
0x7: {  	_ = 	snop  }
__scs_overlays_trampoline_lowered:
0x8: {  	[smem:$0x3FA5] =	sst s0  }
0x9: {  	[smem:$0x3FA6] =	sst s1  }
0xa: {  	[smem:$0x3FA7] =	sst s2  }
0xb: {  	[smem:$0x3FA8] =	sst s3  }
0xc: {  	[smem:$0x3FA9] =	sst s4  }
0xd: {  	[smem:$0x3FAA] =	sst s5  }
0xe: {  	[smem:$0x3FAB] =	sst s6  }
0xf: {  	[smem:$0x3FAC] =	sst s7  }
0x10: {  	[smem:$0x3FAD] =	sst s8  }
0x11: {  	[smem:$0x3FAE] =	sst s9;
	s0 =	simm.s32 @!p0 $0x0  }
0x12: {  	s1 =	sld [smem:$0x3F94];
	s0 =	simm.s32 @p0 $0x1  }
0x13: {  	[smem:$0x3FAF] =	sst s0;
	s0 =	simm.s32 @!p1 $0x0  }
0x14: {  	s2 =	sld [smem:$0x3F93];
	s0 =	simm.s32 @p1 $0x1  }
0x15: {  	[smem:$0x3FB0] =	sst s0;
	s0 =	simm.s32 @!p2 $0x0  }
0x16: {  	s3 =	sld [smem:$0x3FDB];
	s0 =	simm.s32 @p2 $0x1  }
0x17: {  	s4 =	simm.s32 $0x1BF5;
	[smem:$0x3FB2] =	sst s0  }
0x18: {  	s0 =	sld [smem:$0x3F95];
	_ =	swait.ge [sflag:s4], $0x0  }
0x19: {  	s7 =	sld [smem:$0x3F96]  }
0x1a: {  	s8 =	sadd.s32 $0xFFFFE003, lr  }
0x1b: {  	s9 =	sadd.s32 $0xFFFFFEF7, lr;
	s5 =	simm.s32 $0xFFFFFFFF;
	p2 =	slt.u32 s8, $0xFFFFF086  }
0x1c: {  	p1 =	slt.u32 s9, $0xF7A;
	s5 =	simm.s32 @!p2 $0x0  }
0x1d: {  	s5 =	simm.s32 @p1 $0x1;
	p0 =	seq.s32 s7, s2  }
0x1e: {  	s7 =	smul.u32 @!p0 $0xF7A, s2;
	p2 =	seq.s32 @!p0 s5, $0x0  }
0x1f: {  	s9 =	smul.u32 $0xF7A, s1;
	s8 =	simm.s32 @!p0 $0x1BF5;
	p2 =	por !p2, p0  }
0x20: {  	[sflag:s8] =	ssyncset.s32 @!p0 $0xFFFFF086;
	s6 =	sadd.s32 @!p0 s3, s7;
	s7 =	simm.s32 @!p0 $0x108  }
0x21: {  	s3 =	sadd.s32 s3, s9;
	s6 =	sadd.s32 @!p0 $0x88, s6;
	s7 =	simm.s32 @p2 $0x1082  }
0x22: {  	[simem:s7], [sflag:s8] =	dma.local @!p0 [hbm:s6], $0xF7A  }
0x23: {  	s9 =	sor.u32 $0xD0000000, s2;
	s6 =	simm.s32 $0x108;
	_ =	swait.ge @!p0 [sflag:s8], $0x0  }
0x24: {  	s3 =	sadd.s32 $0x88, s3;
	s6 =	simm.s32 @!p1 $0x1082;
	[sflag:s4] =	ssyncset.s32 $0xFFFFF086  }
0x25: {  	[simem:s6], [sflag:s4] =	dma.local [hbm:s3], $0xF7A  }
0x26: {  	[smem:$0x3F96] =	sst s1;
	(tag) =	ssettag s2;
	_ =	strace s9  }
0x27: {  	s1 =	sld [smem:$0x3FA6]  }
0x28: {  	s2 =	sld [smem:$0x3FA7]  }
0x29: {  	s4 =	sld [smem:$0x3FA9]  }
0x2a: {  	p0 =	seq.s32 s5, $0x0;
	s5 =	sld [smem:$0x3FAA]  }
0x2b: {  	s6 =	sld [smem:$0x3FAB]  }
0x2c: {  	s7 =	sld [smem:$0x3FAC]  }
0x2d: {  	s3 =	simm.s32 $0x108;
	s8 =	sld [smem:$0x3FAD]  }
0x2e: {  	s3 =	simm.s32 @!p0 $0x1082;
	s9 =	sld [smem:$0x3FAE]  }
0x2f: {  	lr =	sadd.s32 s0, s3;
	s0 =	sld [smem:$0x3FA5]  }
0x30: {  	s3 =	sld [smem:$0x3FA8]  }
0x31: {  	[smem:$0x3FB1] =	sst s10  }
0x32: {  	s10 =	sld [smem:$0x3FAF];
	_ =	sdelay $0x3  }
0x33: {  	p0 =	seq.s32 s10, $0x1;
	s10 =	sld [smem:$0x3FB1];
	_ =	sdelay $0x3  }
0x34: {  	[smem:$0x3FB1] =	sst s10  }
0x35: {  	s10 =	sld [smem:$0x3FB0];
	_ =	sdelay $0x3  }
0x36: {  	p1 =	seq.s32 s10, $0x1;
	s10 =	sld [smem:$0x3FB1];
	_ =	sdelay $0x3  }
0x37: {  	[smem:$0x3FB1] =	sst s10  }
0x38: {  	s10 =	sld [smem:$0x3FB2]  }
0x39: {  	_ = 	snop;
	(pc) =	sbr.ind lr, $3  }
0x3a: {  	_ = 	snop  }
0x3b: {  	_ = 	snop  }
0x3c: {  	p2 =	seq.s32 s10, $0x1;
	s10 =	sld [smem:$0x3FB1]  }
0x3d: {  	_ =	shalt  }
0x3e: {  	_ =	shalt  }
0x3f: {  	_ =	shalt  }
0x40: {  	_ =	shalt  }
0x41: {  	_ =	shalt  }
0x42: {  	_ =	shalt  }
0x43: {  	_ =	shalt  }
0x44: {  	_ =	shalt  }
0x45: {  	_ =	shalt  }
0x46: {  	_ =	shalt  }
0x47: {  	_ =	shalt  }
0x48: {  	_ =	shalt  }
0x49: {  	_ =	shalt  }
0x4a: {  	_ =	shalt  }
0x4b: {  	_ =	shalt  }
0x4c: {  	_ =	shalt  }
0x4d: {  	_ =	shalt  }
0x4e: {  	_ =	shalt  }
0x4f: {  	_ =	shalt  }
0x50: {  	_ =	shalt  }
0x51: {  	_ =	shalt  }
0x52: {  	_ =	shalt  }
0x53: {  	_ =	shalt  }
0x54: {  	_ =	shalt  }
0x55: {  	_ =	shalt  }
0x56: {  	_ =	shalt  }
0x57: {  	_ =	shalt  }
0x58: {  	_ =	shalt  }
0x59: {  	_ =	shalt  }
0x5a: {  	_ =	shalt  }
0x5b: {  	_ =	shalt  }
0x5c: {  	_ =	shalt  }
0x5d: {  	_ =	shalt  }
0x5e: {  	_ =	shalt  }
0x5f: {  	_ =	shalt  }
0x60: {  	_ =	shalt  }
0x61: {  	_ =	shalt  }
0x62: {  	_ =	shalt  }
0x63: {  	_ =	shalt  }
0x64: {  	_ =	shalt  }
0x65: {  	_ =	shalt  }
0x66: {  	_ =	shalt  }
0x67: {  	_ =	shalt  }
0x68: {  	_ =	shalt  }
0x69: {  	_ =	shalt  }
0x6a: {  	_ =	shalt  }
0x6b: {  	_ =	shalt  }
0x6c: {  	_ =	shalt  }
0x6d: {  	_ =	shalt  }
0x6e: {  	_ =	shalt  }
0x6f: {  	_ =	shalt  }
0x70: {  	_ =	shalt  }
0x71: {  	_ =	shalt  }
0x72: {  	_ =	shalt  }
0x73: {  	_ =	shalt  }
0x74: {  	_ =	shalt  }
0x75: {  	_ =	shalt  }
0x76: {  	_ =	shalt  }
0x77: {  	_ =	shalt  }
0x78: {  	_ =	shalt  }
0x79: {  	_ =	shalt  }
0x7a: {  	_ =	shalt  }
0x7b: {  	_ =	shalt  }
0x7c: {  	_ =	shalt  }
0x7d: {  	_ =	shalt  }
0x7e: {  	_ =	shalt  }
0x7f: {  	_ =	shalt  }
0x80: {  	_ =	shalt  }
0x81: {  	_ =	shalt  }
0x82: {  	_ =	shalt  }
0x83: {  	_ =	shalt  }
0x84: {  	_ =	shalt  }
0x85: {  	_ =	shalt  }
0x86: {  	_ =	shalt  }
0x87: {  	_ =	shalt  }
.Lfunc_end0:
.L_simem_size_0:
called_computation.1_lowered:
.L_overlay_start_0:
0x88: {  	s2 =	sld [smem:$0x3FD9]  }
0x89: {  	s3 =	sld [smem:$0x3FFE];
	_ =	sdelay $0x1  }
0x8a: {  	s1 =	srdreg.scid  }
0x8b: {  	s0 =	sand.u32 $0x1, s1  }
0x8c: {  	s17 =	sshll.u32 s0, $0xA;
	s2 =	sadd.s32 s3, s2  }
0x8d: {  	s2 =	sadd.s32 s2, s17  }
0x8e: {  	[smem:$0x3FBD] =	sst s2  }
0x8f: {  	_ = 	snop  }
0x90: {  	(tm) =	ssettm $0x1  }
0x91: {  	s18 =	sld [smem:$0x3FFB];
	_ =	sdelay $0x3  }
0x92: {  	_ =	strace s18  }
0x93: {  	s2 =	sld [smem:$0x3FFC];
	_ =	sdelay $0x3  }
0x94: {  	_ =	strace s2  }
0x95: {  	s2 =	sld [smem:$0x3FFD];
	_ =	sdelay $0x3  }
0x96: {  	_ =	strace s2  }
0x97: {  	_ =	strace $0x8FFFFFFF  }
0x98: {  	s19 =	sld [smem:$0x3FDB];
	_ =	sdelay $0x1  }
0x99: {  	s20 =	simm.s32 $_scs_section_size  }
0x9a: {  	s4 =	simm.s32 $_size__tile_overlayer_lowered;
	s5 =	simm.s32 $_tile_overlayer_lowered  }
0x9b: {  	s6 =	simm.s32 $0x1BFF;
	s21 =	sshll.u32 s5, $0x1;
	s3 =	sadd.s32 s20, s19  }
0x9c: {  	s22 =	simm.s32 $0x0;
	s4 =	sshll.u32 s4, $0x1;
	s5 =	sadd.s32 s21, s3  }
0x9d: {  	[timem:s22], [sflag:s6] =	dma.local [hbm:s5], s4  }
0x9e: {  	_ =	swait.ge [sflag:s6], s4  }
0x9f: {  	s4 =	ssub.s32 $0x0, s4;
	[sflag:s6] =	ssyncset.done $0x0  }
0xa0: {  	[sflag:s6] =	ssyncadd.s32 s4;
	_ =	sdelay $0x1  }
0xa1: {  	s23 =	simm.s32 $0x1B8B  }
0xa2: {  	_ =	swait.ge [sflag:s23], $0x1  }
0xa3: {  	[sflag:s23] =	ssyncset.done $0x0  }
0xa4: {  	[sflag:s23] =	ssyncadd.s32 $0xFFFFFFFF  }
0xa5: {  	s4 =	sld [smem:$0x0]  }
0xa6: {  	s5 =	sand.u32 $0xFFFFFFFE, s1  }
0xa7: {  	p0 =	sne.s32 s1, s5  }
0xa8: {  	s5 =	sshll.u32 @p0 s5, $0xE  }
0xa9: {  	s5 =	sadd.s32 @p0 $0x11B8D, s5;
	s6 =	sshll.u32 @p0 s4, $0x11  }
0xaa: {  	s5 =	sor.u32 @p0 s6, s5  }
0xab: {  	[sflag:s5] =	ssyncadd.remote.s32 @p0 $0x1;
	_ =	sdelay $0x1  }
0xac: {  	s5 =	simm.s32 @p0 $0x1B8D  }
0xad: {  	_ =	swait.eq @p0 [sflag:s5], $0x1  }
0xae: {  	[sflag:s5] =	ssyncadd.s32 @p0 $0xFFFFFFFF  }
0xaf: {  	s6 =	sshll.u32 @!p0 s1, $0xE  }
0xb0: {  	s6 =	sor.u32 @!p0 $0x4000, s6;
	s5 =	simm.s32 @!p0 $0x1B8D  }
0xb1: {  	s4 =	sshll.u32 @!p0 s4, $0x11;
	s6 =	sadd.s32 @!p0 $0x11B8D, s6;
	_ =	swait.eq @!p0 [sflag:s5], $0x1  }
0xb2: {  	s4 =	sor.u32 @!p0 s4, s6;
	[sflag:s5] =	ssyncadd.s32 @!p0 $0xFFFFFFFF  }
0xb3: {  	s25 =	simm.s32 $0x1B8E;
	s24 =	sld [smem:$0x3FFE];
	[sflag:s4] =	ssyncadd.remote.s32 @!p0 $0x1  }
0xb4: {  	s26 =	simm.s32 $execute0_lowered;
	[smem:$0x3FD2] =	sst s25  }
0xb5: {  	s5 =	sshll.u32 s26, $0x1;
	_ =	strace $0x8000004C;
	[dreg:$0x1] =	wrdreg $0xFFFFFFFF  }
0xb6: {  	s28 =	simm.s32 $_size_execute0_lowered;
	s3 =	sadd.s32 s3, s5;
	[dreg:$0x0] =	wrdreg $0x0  }
0xb7: {  	s5 =	sshll.u32 s28, $0x1;
	[dreg:$0x2] =	wrdreg s3  }
0xb8: {  	[dreg:$0x3] =	wrdreg s5  }
0xb9: {  	[dreg:$0x4] =	wrdreg $0xC0  }
0xba: {  	_ =	task [dreg:s22], $0x5FFFF  }
0xbb: {  	[dreg:$0x1] =	wrdreg $0xFFFFFFFF  }
0xbc: {  	[dreg:$0x0] =	wrdreg $0x60  }
0xbd: {  	[dreg:$0x2] =	wrdreg s24  }
0xbe: {  	[dreg:$0x3] =	wrdreg $0xA  }
0xbf: {  	_ =	task.clear_ibuf [dreg:s22], $0x4FFFF;
	_ =	strace $0x9000004C  }
0xc0: {  	s29 =	simm.s32 $0xA;
	_ =	strace $0x8000004E  }
0xc1: {  	_ =	swait.ge [sflag:s29], $0x1  }
0xc2: {  	[sflag:s29] =	ssyncadd.s32 $0xFFFFFFFF  }
0xc3: {  	_ =	strace $0x9000004E  }
0xc4: {  	_ =	sfence  }
0xc5: {  	s30 =	sld [smem:$0x0];
	_ =	sdelay $0x2  }
0xc6: {  	s31 =	sshll.u32 s1, $0xD;
	s1 =	sshrl.u32 s1, $0x2  }
0xc7: {  	s4 =	sand.u32 $0x4000, s31;
	s1 =	sadd.s32 s1, s30  }
0xc8: {  	s0 =	sor.u32 s4, s0;
	s1 =	sshll.u32 s1, $0x11  }
0xc9: {  	s0 =	sor.u32 s1, s0  }
0xca: {  	s0 =	sadd.s32 $0x8F2B, s0  }
0xcb: {  	[sflag:s0] =	ssyncadd.remote.s32 $0x1  }
0xcc: {  	_ =	sfence.sel $0xFFFF  }
0xcd: {  	[dreg:$0x0] =	wrdreg $0xFFFFFFFF;
	(pc) =	sbr.abs _section_cstart, $3  }
0xce: {  	[dreg:$0x1] =	wrdreg $0xFFFFFFFF  }
0xcf: {  	_ =	task.clear_ibuf [dreg:s22], $0x2FFFF;
	_ =	strace $0x9FFFFFFF  }
0xd0: {  	(tm) =	ssettm $0x7FFFFFFF  }
0xd1: {  	_ =	shalt  }
tec
execute0_lowered:
.L_overlay_start_1:
0x0: {  	(tag) =	ssettag $0x1  }
0x1: {  	s1 =	srdreg.scid  }
0x2: {  	s0 =	stileid.u32;
	s4 =	rddreg [dreg:$0x0];
	s2 =	simm.s32 $0x0  }
0x3: {  	s12 =	simm.s32 $0x9;
	s13 =	simm.s32 $0x80;
	s14 =	simm.s32 $0x1900  }
0x4: {  	s15 =	simm.s32 $0x2900;
	s16 =	simm.s32 $0x3900;
	s17 =	simm.s32 $0x4900  }
0x5: {  	s18 =	simm.s32 $0x1;
	s19 =	simm.s32 $0x2;
	s20 =	simm.s32 $0x3  }
0x6: {  	s21 =	simm.s32 $0x4;
	s22 =	simm.s32 $0x5;
	s23 =	simm.s32 $0x6  }
0x7: {  	s24 =	simm.s32 $0x7;
	s25 =	simm.s32 $0x8;
	s7 =	smul.u32 $0x64000, s0  }
0x8: {  	s28 =	simm.s32 $0x1880;
	s1 =	sand.u32 $0x1, s1;
	s9 =	smul.u32 $0x3200, s0  }
0x9: {  	s29 =	simm.s32 $0x0;
	s3 =	sshll.u32 s0, $0x1;
	s11 =	smul.u32 $0x1900, s1  }
0xa: {  	s3 =	sor.u32 s1, s3;
	s30 =	ssub.s32 $0x2, s1;
	s1 =	smul.u32 $0x32000, s1  }
0xb: {  	[smem:$0x7FF] =	sst s2;
	s8 =	sadd.s32 $0x1EC400, s4;
	s5 =	smul.u32 $0x320, s3  }
0xc: {  	_ =	strace $0x8000004D;
	s6 =	smul.u32 $0x32000, s3;
	s10 =	sshrl.u32 s30, $0x1  }
0xd: {  	s3 =	sadd.s32 $0x372E00, s4;
	s10 =	ssub.s32 s30, s10;
	s9 =	sadd.s32 s11, s9  }
0xe: {  	s1 =	sadd.s32 s1, s7;
	s5 =	sadd.s32 s5, s4;
	s6 =	sshrl.u32 s6, $0x3  }
0xf: {  	s9 =	sshll.u32 s9, $0x2;
	s7 =	smax.u32 s10, $0x1;
	s1 =	sshrl.u32 s1, $0x3  }
0x10: {  	s6 =	sadd.s32 s8, s6;
	s4 =	sadd.s32 $0x133E00, s5;
	s31 =	sadd.s32 s8, s9  }
0x11: {  	s8 =	sadd.s32 s1, s8;
	s5 =	sadd.s32 $0x6000, s6;
	s6 =	sadd.s32 $0x6200, s6  }
0x12: {  	s9 =	sadd.s32 $0x400, s31;
	s10 =	sadd.s32 $0x200, s31;
	s11 =	sadd.s32 $0x600, s31  }
.LBB2_1:
0x13: {  	[tilespmem:s2], [sflag:$0x9] =	stream.linear.gather [hbm4b:s4+s2], $0x1900, $0x38;
	[tilespmem:$0x5900] =	vst v63  }
0x14: {  	_ =	swait.ge [sflag:s12], $0x1900  }
0x15: {  	[sflag:s12] =	ssyncset.done $0x0  }
0x16: {  	s1 =	simm.s32 $0x0;
	[sflag:s12] =	ssyncadd.s32 $0xFFFFE700  }
0x17: {  	[tilespmem:s14], [sflag:$0x1] =	stream.indirect.gather [hbm4b:s3+s13], $0x20, s1, s13, $0xb8;
	[tilespmem:$0x5900] =	vst v63  }
0x18: {  	s26 =	simm.s32 $0x80  }
0x19: {  	[tilespmem:s15], [sflag:$0x2] =	stream.indirect.gather [hbm4b:s3+s13], $0x20, s26, s13, $0xb8;
	[tilespmem:$0x5900] =	vst v63  }
0x1a: {  	s0 =	simm.s32 $0x100  }
0x1b: {  	[tilespmem:s16], [sflag:$0x3] =	stream.indirect.gather [hbm4b:s3+s13], $0x20, s0, s13, $0xb8;
	[tilespmem:$0x5900] =	vst v63  }
0x1c: {  	s26 =	simm.s32 $0x180  }
0x1d: {  	[tilespmem:s17], [sflag:$0x4] =	stream.indirect.gather [hbm4b:s3+s13], $0x20, s26, s13, $0xb8;
	[tilespmem:$0x5900] =	vst v63  }
0x1e: {  	_ =	swait.ge [sflag:s18], $0x1000  }
0x1f: {  	[sflag:s18] =	ssyncset.done $0x0  }
0x20: {  	s0 =	sadd.s32 $0x0, s8;
	[sflag:s18] =	ssyncadd.s32 $0xFFFFF000  }
0x21: {  	[hbm4b:s0+s2] =	stream.linear.scatter [tilespmem:s14], [sflag:$0x5], $0x1000, $0x38;
	[tilespmem:$0x5900] =	vst v63  }
0x22: {  	_ =	swait.ge [sflag:s19], $0x1000  }
0x23: {  	[sflag:s19] =	ssyncset.done $0x0  }
0x24: {  	s26 =	sadd.s32 $0x0, s10;
	[sflag:s19] =	ssyncadd.s32 $0xFFFFF000  }
0x25: {  	[hbm4b:s26+s2] =	stream.linear.scatter [tilespmem:s15], [sflag:$0x6], $0x1000, $0x38;
	[tilespmem:$0x5900] =	vst v63  }
0x26: {  	_ =	swait.ge [sflag:s20], $0x1000  }
0x27: {  	[sflag:s20] =	ssyncset.done $0x0  }
0x28: {  	s0 =	sadd.s32 $0x0, s9;
	[sflag:s20] =	ssyncadd.s32 $0xFFFFF000  }
0x29: {  	[hbm4b:s0+s2] =	stream.linear.scatter [tilespmem:s16], [sflag:$0x7], $0x1000, $0x38;
	[tilespmem:$0x5900] =	vst v63  }
0x2a: {  	_ =	swait.ge [sflag:s21], $0x1000  }
0x2b: {  	[sflag:s21] =	ssyncset.done $0x0  }
0x2c: {  	s26 =	sadd.s32 $0x0, s11;
	[sflag:s21] =	ssyncadd.s32 $0xFFFFF000  }
0x2d: {  	[hbm4b:s26+s2] =	stream.linear.scatter [tilespmem:s17], [sflag:$0x8], $0x1000, $0x38;
	[tilespmem:$0x5900] =	vst v63  }
0x2e: {  	_ =	swait.ge [sflag:s22], $0x1000  }
0x2f: {  	[sflag:s22] =	ssyncset.done $0x0  }
0x30: {  	[sflag:s22] =	ssyncadd.s32 $0xFFFFF000  }
0x31: {  	_ =	swait.ge [sflag:s23], $0x1000  }
0x32: {  	[sflag:s23] =	ssyncset.done $0x0  }
0x33: {  	[sflag:s23] =	ssyncadd.s32 $0xFFFFF000  }
0x34: {  	_ =	swait.ge [sflag:s24], $0x1000  }
0x35: {  	[sflag:s24] =	ssyncset.done $0x0  }
0x36: {  	[sflag:s24] =	ssyncadd.s32 $0xFFFFF000  }
0x37: {  	_ =	swait.ge [sflag:s25], $0x1000  }
0x38: {  	s30 =	simm.s32 $0x800;
	s31 =	simm.s32 $0x1000;
	[sflag:s25] =	ssyncset.done $0x0  }
.LBB2_2:
0x39: {  	s0 =	sshra.s32 s30, $0x2  }
0x3a: {  	[sflag:s25] =	ssyncadd.s32 $0xFFFFF000;
	s26 =	smov.u32 s31;
	s1 =	sadd.s32 $0x800, s31  }
0x3b: {  	[tilespmem:s14], [sflag:$0x1] =	stream.indirect.gather [hbm4b:s3+s13], $0x20, s0, s13, $0xb8;
	[tilespmem:$0x5900] =	vst v63  }
0x3c: {  	p0 =	sne.s32 s31, $0x5800;
	s31 =	sadd.s32 $0x80, s0  }
0x3d: {  	[tilespmem:s15], [sflag:$0x2] =	stream.indirect.gather [hbm4b:s3+s13], $0x20, s31, s13, $0xb8;
	[tilespmem:$0x5900] =	vst v63  }
0x3e: {  	s31 =	sadd.s32 $0x100, s0  }
0x3f: {  	[tilespmem:s16], [sflag:$0x3] =	stream.indirect.gather [hbm4b:s3+s13], $0x20, s31, s13, $0xb8;
	[tilespmem:$0x5900] =	vst v63  }
0x40: {  	s0 =	sadd.s32 $0x180, s0  }
0x41: {  	[tilespmem:s17], [sflag:$0x4] =	stream.indirect.gather [hbm4b:s3+s13], $0x20, s0, s13, $0xb8;
	[tilespmem:$0x5900] =	vst v63  }
0x42: {  	_ =	swait.ge [sflag:s18], $0x1000  }
0x43: {  	[sflag:s18] =	ssyncset.done $0x0  }
0x44: {  	s0 =	sadd.s32 s30, s8;
	[sflag:s18] =	ssyncadd.s32 $0xFFFFF000  }
0x45: {  	[hbm4b:s0+s2] =	stream.linear.scatter [tilespmem:s14], [sflag:$0x5], $0x1000, $0x38;
	[tilespmem:$0x5900] =	vst v63  }
0x46: {  	_ =	swait.ge [sflag:s19], $0x1000  }
0x47: {  	[sflag:s19] =	ssyncset.done $0x0  }
0x48: {  	s0 =	sadd.s32 s30, s10;
	[sflag:s19] =	ssyncadd.s32 $0xFFFFF000  }
0x49: {  	[hbm4b:s0+s2] =	stream.linear.scatter [tilespmem:s15], [sflag:$0x6], $0x1000, $0x38;
	[tilespmem:$0x5900] =	vst v63  }
0x4a: {  	_ =	swait.ge [sflag:s20], $0x1000  }
0x4b: {  	[sflag:s20] =	ssyncset.done $0x0  }
0x4c: {  	s0 =	sadd.s32 s30, s9;
	[sflag:s20] =	ssyncadd.s32 $0xFFFFF000  }
0x4d: {  	[hbm4b:s0+s2] =	stream.linear.scatter [tilespmem:s16], [sflag:$0x7], $0x1000, $0x38;
	[tilespmem:$0x5900] =	vst v63  }
0x4e: {  	_ =	swait.ge [sflag:s21], $0x1000  }
0x4f: {  	[sflag:s21] =	ssyncset.done $0x0  }
0x50: {  	s0 =	sadd.s32 s30, s11;
	s30 =	smov.u32 s26;
	[sflag:s21] =	ssyncadd.s32 $0xFFFFF000  }
0x51: {  	[hbm4b:s0+s2] =	stream.linear.scatter [tilespmem:s17], [sflag:$0x8], $0x1000, $0x38;
	[tilespmem:$0x5900] =	vst v63  }
0x52: {  	_ =	swait.ge [sflag:s22], $0x1000  }
0x53: {  	[sflag:s22] =	ssyncset.done $0x0  }
0x54: {  	[sflag:s22] =	ssyncadd.s32 $0xFFFFF000  }
0x55: {  	_ =	swait.ge [sflag:s23], $0x1000  }
0x56: {  	[sflag:s23] =	ssyncset.done $0x0  }
0x57: {  	[sflag:s23] =	ssyncadd.s32 $0xFFFFF000  }
.Ltmp0:
0x58: {  	_ =	swait.ge [sflag:s24], $0x1000;
	(pc) =	sbr.rel @p0 .LBB2_2-.Ltmp0, $4  }
0x59: {  	[sflag:s24] =	ssyncset.done $0x0  }
0x5a: {  	[sflag:s24] =	ssyncadd.s32 $0xFFFFF000  }
0x5b: {  	_ =	swait.ge [sflag:s25], $0x1000  }
0x5c: {  	s31 =	smov.u32 s1;
	[sflag:s25] =	ssyncset.done $0x0  }
0x5d: {  	s0 =	sshra.s32 s30, $0x2;
	[sflag:s25] =	ssyncadd.s32 $0xFFFFF000  }
0x5e: {  	[tilespmem:s14], [sflag:$0x1] =	stream.indirect.gather [hbm4b:s3+s13], $0x20, s0, s13, $0xb8;
	[tilespmem:$0x5900] =	vst v63  }
0x5f: {  	s1 =	sadd.s32 $0x80, s0  }
0x60: {  	[tilespmem:s15], [sflag:$0x2] =	stream.indirect.gather [hbm4b:s3+s13], $0x20, s1, s13, $0xb8;
	[tilespmem:$0x5900] =	vst v63  }
0x61: {  	s26 =	sadd.s32 $0x100, s0  }
0x62: {  	[tilespmem:s16], [sflag:$0x3] =	stream.indirect.gather [hbm4b:s3+s13], $0x20, s26, s13, $0xb8;
	[tilespmem:$0x5900] =	vst v63  }
0x63: {  	s0 =	sadd.s32 $0x180, s0  }
0x64: {  	[tilespmem:s17], [sflag:$0x4] =	stream.indirect.gather [hbm4b:s3+s13], $0x20, s0, s13, $0xb8;
	[tilespmem:$0x5900] =	vst v63  }
0x65: {  	_ =	swait.ge [sflag:s18], $0x1000  }
0x66: {  	[sflag:s18] =	ssyncset.done $0x0  }
0x67: {  	s31 =	sadd.s32 s30, s8;
	[sflag:s18] =	ssyncadd.s32 $0xFFFFF000  }
0x68: {  	[hbm4b:s31+s2] =	stream.linear.scatter [tilespmem:s14], [sflag:$0x5], $0x1000, $0x38;
	[tilespmem:$0x5900] =	vst v63  }
0x69: {  	_ =	swait.ge [sflag:s19], $0x1000  }
0x6a: {  	[sflag:s19] =	ssyncset.done $0x0  }
0x6b: {  	s1 =	sadd.s32 s30, s10;
	[sflag:s19] =	ssyncadd.s32 $0xFFFFF000  }
0x6c: {  	[hbm4b:s1+s2] =	stream.linear.scatter [tilespmem:s15], [sflag:$0x6], $0x1000, $0x38;
	[tilespmem:$0x5900] =	vst v63  }
0x6d: {  	_ =	swait.ge [sflag:s20], $0x1000  }
0x6e: {  	[sflag:s20] =	ssyncset.done $0x0  }
0x6f: {  	s26 =	sadd.s32 s30, s9;
	[sflag:s20] =	ssyncadd.s32 $0xFFFFF000  }
0x70: {  	[hbm4b:s26+s2] =	stream.linear.scatter [tilespmem:s16], [sflag:$0x7], $0x1000, $0x38;
	[tilespmem:$0x5900] =	vst v63  }
0x71: {  	_ =	swait.ge [sflag:s21], $0x1000  }
0x72: {  	[sflag:s21] =	ssyncset.done $0x0  }
0x73: {  	s30 =	sadd.s32 s30, s11;
	[sflag:s21] =	ssyncadd.s32 $0xFFFFF000  }
0x74: {  	[hbm4b:s30+s2] =	stream.linear.scatter [tilespmem:s17], [sflag:$0x8], $0x1000, $0x38;
	[tilespmem:$0x5900] =	vst v63  }
0x75: {  	_ =	swait.ge [sflag:s22], $0x1000  }
0x76: {  	[sflag:s22] =	ssyncset.done $0x0  }
0x77: {  	[sflag:s22] =	ssyncadd.s32 $0xFFFFF000  }
0x78: {  	_ =	swait.ge [sflag:s23], $0x1000  }
0x79: {  	[sflag:s23] =	ssyncset.done $0x0  }
0x7a: {  	[sflag:s23] =	ssyncadd.s32 $0xFFFFF000  }
0x7b: {  	_ =	swait.ge [sflag:s24], $0x1000  }
0x7c: {  	[sflag:s24] =	ssyncset.done $0x0  }
0x7d: {  	[sflag:s24] =	ssyncadd.s32 $0xFFFFF000  }
0x7e: {  	_ =	swait.ge [sflag:s25], $0x1000  }
0x7f: {  	[sflag:s25] =	ssyncset.done $0x0  }
0x80: {  	s31 =	simm.s32 $0x1800;
	[sflag:s25] =	ssyncadd.s32 $0xFFFFF000  }
0x81: {  	[tilespmem:s14], [sflag:$0x1] =	stream.indirect.gather [hbm4b:s3+s13], $0x20, s31, s13, $0xb8;
	[tilespmem:$0x5900] =	vst v63  }
0x82: {  	_ =	swait.ge [sflag:s18], $0x1000  }
0x83: {  	[sflag:s18] =	ssyncset.done $0x0  }
0x84: {  	[sflag:s18] =	ssyncadd.s32 $0xFFFFF000  }
0x85: {  	[hbm4b:s5+s2] =	stream.linear.scatter [tilespmem:s14], [sflag:$0x9], $0x1000, $0x38;
	[tilespmem:$0x5900] =	vst v63  }
0x86: {  	_ =	swait.ge [sflag:s12], $0x1000  }
0x87: {  	[sflag:s12] =	ssyncset.done $0x0  }
0x88: {  	[sflag:s12] =	ssyncadd.s32 $0xFFFFF000  }
0x89: {  	[tilespmem:s15], [sflag:$0x2] =	stream.indirect.gather [hbm4b:s3+s13], $0x20, s28, s13, $0xb8;
	[tilespmem:$0x5900] =	vst v63  }
0x8a: {  	s29 =	sadd.s32 $0x1, s29;
	_ =	swait.ge [sflag:s19], $0x1000  }
0x8b: {  	p0 =	sne.s32 s29, s7;
	[sflag:s19] =	ssyncset.done $0x0  }
.Ltmp1:
0x8c: {  	[sflag:s19] =	ssyncadd.s32 $0xFFFFF000;
	(pc) =	sbr.rel @p0 .LBB2_1-.Ltmp1, $4  }
0x8d: {  	[hbm4b:s6+s2] =	stream.linear.scatter [tilespmem:s15], [sflag:$0x9], $0x1000, $0x38;
	[tilespmem:$0x5900] =	vst v63  }
0x8e: {  	_ =	swait.ge [sflag:s12], $0x1000  }
0x8f: {  	[sflag:s12] =	ssyncset.done $0x0  }
0x90: {  	[sflag:s12] =	ssyncadd.s32 $0xFFFFF000  }
0x91: {  	_ =	sfence.sel $0x180000  }
0x92: {  	[bflag:$0x0] =	sbarrier.arrive $0xFFFF  }
0x93: {  	_ =	strace $0x9000004D  }
0x94: {  	s0 =	stileid.u32;
	[bflag:$0x2] =	sbarrier.arrive $0xFFFF  }
0x95: {  	p0 =	sne.s32 s0, $0x0;
	s0 =	rddreg [dreg:$0x1]  }
0x96: {  	s0 =	sadd.s32 @!p0 $0x100000, s0  }
0x97: {  	[sflag:s0] =	ssyncadd.tile.s32 @!p0 $0x1;
	_ =	shalt  }
.Lfunc_end2:
_tile_overlayer_lowered:
.L_overlay_start_2:
0x98: {  	(tag) =	ssettag $0x2  }
0x99: {  	s0 =	rddreg [dreg:$0x0];
	s2 =	stileid.u32  }
0x9a: {  	s1 =	rddreg [dreg:$0x1];
	p0 =	sne.s32 s2, $0x0  }
0x9b: {  	s3 =	rddreg [dreg:$0x2];
	[bflag:$0x3] =	sbarrier.arrive $0xFFFF;
	s2 =	simm.s32 @!p0 $0x1C09  }
0x9c: {  	[timem:s3], [sflag:s2] =	dma.local @!p0 [hbm:s0], s1  }
0x9d: {  	s0 =	simm.s32 @!p0 $0x9  }
0x9e: {  	_ =	swait.ge @!p0 [sflag:s0], s1  }
0x9f: {  	s1 =	ssub.s32 @!p0 $0x0, s1;
	[sflag:s0] =	ssyncset.done @!p0 $0x0  }
0xa0: {  	[sflag:s0] =	ssyncadd.s32 @!p0 s1  }
0xa1: {  	[bflag:$0x3] =	sbarrier.arrive $0xFFFF  }
0xa2: {  	_ =	shalt  }

</sc_bundles>
